<compile_context>
chip_gen: v7x
topology: tpu7x:2x2x1
jax: 0.10.2.dev20260603
libtpu: 0.0.44.dev20260713+nightly
codegen_flags: <defaults>
</compile_context>

<pallas_src>
import functools

import jax
import jax.numpy as jnp
import numpy as np
from jax import lax
from jax.experimental import pallas as pl
from jax.experimental.pallas import tpu as pltpu
from jax.experimental.pallas import tpu_sc as plsc

N = 10000
E = 320000
D = 128
DE = 16
H = 4
F = 32
HF = H * F
PW = HF + 16

NC = 2
NS = 16
K = 80
EPT = E // (NC * NS)
NCHUNK = EPT // K
NP = 10240
RPT = NP // NS


_E1T = np.concatenate(
    [np.kron(np.eye(H), np.ones((1, F))), np.zeros((16 - H, HF))], axis=0
).astype(np.float32).T

_NBLK = 400
_EBLK = E // (N // _NBLK)


def _dotT(x, w):
    return lax.dot_general(x, w, (((1,), (1,)), ((), ())),
                           preferred_element_type=jnp.float32)


def _prep_body(x_ref, eg_ref, wr_ref, wk_ref, a1_ref, a2_ref,
               e1t_ref, pns_ref, r_ref, ep_ref):
    e1t = e1t_ref[...]
    pn = _dotT(x_ref[...], wr_ref[...])
    s16 = jnp.dot(pn * a1_ref[...], e1t,
                  preferred_element_type=jnp.float32)
    pns_ref[:, :HF] = pn
    pns_ref[:, HF:] = s16
    r_ref[...] = jnp.dot(pn * a2_ref[...], e1t,
                         preferred_element_type=jnp.float32)
    ep_ref[...] = jnp.dot(eg_ref[...], wk_ref[...],
                          preferred_element_type=jnp.float32)


def _prepare(nodes, edgesP, wr, wkron, a1r, a2r):
    nb = N // _NBLK
    eb = _EBLK // 8
    return pl.pallas_call(
        _prep_body,
        grid=(nb,),
        in_specs=[
            pl.BlockSpec((_NBLK, D), lambda i: (i, 0)),
            pl.BlockSpec((eb, 128), lambda i: (i, 0)),
            pl.BlockSpec((HF, D), lambda i: (0, 0)),
            pl.BlockSpec((128, 128), lambda i: (0, 0)),
            pl.BlockSpec((1, HF), lambda i: (0, 0)),
            pl.BlockSpec((1, HF), lambda i: (0, 0)),
            pl.BlockSpec((HF, 16), lambda i: (0, 0)),
        ],
        out_specs=[
            pl.BlockSpec((_NBLK, PW), lambda i: (i, 0)),
            pl.BlockSpec((_NBLK, 16), lambda i: (i, 0)),
            pl.BlockSpec((eb, 128), lambda i: (i, 0)),
        ],
        out_shape=[
            jax.ShapeDtypeStruct((N, PW), jnp.float32),
            jax.ShapeDtypeStruct((N, 16), jnp.float32),
            jax.ShapeDtypeStruct((E // 8, 128), jnp.float32),
        ],
    )(nodes, edgesP, wr, wkron, a1r, a2r, jnp.asarray(_E1T))


def _edge_body(pns_hbm, r_hbm, e_hbm, send_hbm, recv_hbm,
               acc_out,
               sidx0, sidx1, ridx0, ridx1, rsc0, rsc1,
               pns0, pns1, rrows0, rrows1, erows0, erows1,
               gsem0, gsem1, isem0, isem1, ssem0, ssem1,
               acc_sh):
    c = lax.axis_index("c")
    sid = lax.axis_index("s")
    zero16 = jnp.zeros((16,), jnp.float32)
    NV = PW // 16
    sidx = (sidx0, sidx1)
    ridx = (ridx0, ridx1)
    rsc = (rsc0, rsc1)
    pns = (pns0, pns1)
    rrows = (rrows0, rrows1)
    erows = (erows0, erows1)
    gsem = (gsem0, gsem1)
    isem = (isem0, isem1)
    ssem = (ssem0, ssem1)

    def z_body(i, _):
        pns0[i // NV, pl.ds((i % NV) * 16, 16)] = zero16
        return 0
    lax.fori_loop(0, K * NV, z_body, 0)

    base_n = sid * RPT
    for k in range(RPT // K):
        pltpu.sync_copy(pns0, acc_sh.at[pl.ds(base_n + k * K, K)])
    plsc.subcore_barrier()

    base_e0 = (c * NS + sid) * EPT

    def idx_copies(it, b):
        off = base_e0 + it * K
        return (
            pltpu.make_async_copy(send_hbm.at[pl.ds(off, K)], sidx[b], isem[b]),
            pltpu.make_async_copy(recv_hbm.at[pl.ds(off, K)], ridx[b], isem[b]),
        )

    def gathers(it, b):
        return (
            pltpu.make_async_copy(pns_hbm.at[sidx[b]], pns[b], gsem[b]),
            pltpu.make_async_copy(r_hbm.at[ridx[b]], rrows[b], gsem[b]),
            pltpu.make_async_copy(e_hbm.at[pl.ds(base_e0 + it * K, K)],
                                  erows[b], gsem[b]),
        )

    def scatter(b):
        return pltpu.make_async_copy(pns[b], acc_sh.at[rsc[b]], ssem[b])

    for d in idx_copies(0, 0):
        d.start()
    for d in idx_copies(1, 1):
        d.start()
    for d in idx_copies(0, 0):
        d.wait()
    for g in gathers(0, 0):
        g.start()

    def do_chunk(it, b):
        ob = 1 - b
        for g in gathers(it, b):
            g.wait()
        @pl.when(it >= 1)
        def _():
            scatter(ob).wait()
        @pl.when(it + 1 < NCHUNK)
        def _():
            for d in idx_copies(it + 1, ob):
                d.wait()
            for g in gathers(it + 1, ob):
                g.start()
        for v in range(K // 16):
            rsc[b][pl.ds(v * 16, 16)] = ridx[b][pl.ds(v * 16, 16)]

        @pl.when(it + 2 < NCHUNK)
        def _():
            for d in idx_copies(it + 2, b):
                d.start()

        def edge_body(e, _):
            m = pns[b][e, pl.ds(HF, 16)] + rrows[b][e, :] + erows[b][e, :]
            m = jnp.maximum(m, m * 0.01)
            w = jnp.exp(m)
            pns[b][e, pl.ds(HF, 16)] = w
            w0 = w[0]
            w1 = w[1]
            w2 = w[2]
            w3 = w[3]
            for j, wj in enumerate((w0, w0, w1, w1, w2, w2, w3, w3)):
                pns[b][e, pl.ds(j * 16, 16)] = pns[b][e, pl.ds(j * 16, 16)] * wj
            return 0
        lax.fori_loop(0, K, edge_body, 0, unroll=2)

        pltpu.async_copy(pns[b], acc_sh.at[rsc[b]], ssem[b], add=True)

    def chunk_body(it, _):
        @pl.when(it % 2 == 0)
        def _():
            do_chunk(it, 0)

        @pl.when(it % 2 == 1)
        def _():
            do_chunk(it, 1)
        return 0
    lax.fori_loop(0, NCHUNK, chunk_body, 0)

    scatter((NCHUNK - 1) % 2).wait()

    plsc.subcore_barrier()
    pltpu.sync_copy(acc_sh.at[pl.ds(base_n, RPT)],
                    acc_out.at[c, pl.ds(base_n, RPT)])


_edge_kernel = functools.partial(
    pl.kernel,
    out_type=jax.ShapeDtypeStruct((NC, NP, PW), jnp.float32),
    mesh=plsc.VectorSubcoreMesh(core_axis_name="c", subcore_axis_name="s"),
    compiler_params=pltpu.CompilerParams(use_tc_tiling_on_sc=False),
    scratch_types=[
        pltpu.VMEM((K,), jnp.int32),
        pltpu.VMEM((K,), jnp.int32),
        pltpu.VMEM((K,), jnp.int32),
        pltpu.VMEM((K,), jnp.int32),
        pltpu.VMEM((K,), jnp.int32),
        pltpu.VMEM((K,), jnp.int32),
        pltpu.VMEM((K, PW), jnp.float32),
        pltpu.VMEM((K, PW), jnp.float32),
        pltpu.VMEM((K, 16), jnp.float32),
        pltpu.VMEM((K, 16), jnp.float32),
        pltpu.VMEM((K, 16), jnp.float32),
        pltpu.VMEM((K, 16), jnp.float32),
        pltpu.SemaphoreType.DMA,
        pltpu.SemaphoreType.DMA,
        pltpu.SemaphoreType.DMA,
        pltpu.SemaphoreType.DMA,
        pltpu.SemaphoreType.DMA,
        pltpu.SemaphoreType.DMA,
        pltpu.VMEM_SHARED((NP, PW), jnp.float32),
    ],
)(_edge_body)


_E1 = np.concatenate(
    [np.kron(np.eye(H), np.ones((1, F))), np.zeros((16 - H, HF))], axis=0
).astype(np.float32)


def _final_body(pns_ref, r_ref, acc_ref, e1_ref, lns_ref, lnb_ref, o_ref):
    pn = pns_ref[:, :HF]
    m = pns_ref[:, HF:] + r_ref[...]
    wself = jnp.exp(jnp.maximum(m, m * 0.01))
    acc = acc_ref[0] + acc_ref[1]
    d16 = acc[:, HF:] + wself
    e1 = e1_ref[...]
    w_exp = jnp.dot(wself, e1, preferred_element_type=jnp.float32)
    d_exp = jnp.dot(d16, e1, preferred_element_type=jnp.float32)
    num = acc[:, :HF] + w_exp * pn
    x = num / d_exp
    x = jnp.where(x > 0, x, jnp.exp(jnp.minimum(x, 0.0)) - 1.0)
    mean = jnp.mean(x, axis=-1, keepdims=True)
    xc = x - mean
    var = jnp.mean(xc * xc, axis=-1, keepdims=True)
    o_ref[...] = xc / jnp.sqrt(var + 1e-6) * lns_ref[...] + lnb_ref[...]


def _finalize(pns, r16, acc2, ln_scale, ln_bias):
    blk = 2000
    return pl.pallas_call(
        _final_body,
        grid=(N // blk,),
        in_specs=[
            pl.BlockSpec((blk, PW), lambda i: (i, 0)),
            pl.BlockSpec((blk, 16), lambda i: (i, 0)),
            pl.BlockSpec((NC, blk, PW), lambda i: (0, i, 0)),
            pl.BlockSpec((16, HF), lambda i: (0, 0)),
            pl.BlockSpec((1, HF), lambda i: (0, 0)),
            pl.BlockSpec((1, HF), lambda i: (0, 0)),
        ],
        out_specs=pl.BlockSpec((blk, HF), lambda i: (i, 0)),
        out_shape=jax.ShapeDtypeStruct((N, HF), jnp.float32),
    )(pns, r16, acc2, jnp.asarray(_E1),
      ln_scale.reshape(1, HF), ln_bias.reshape(1, HF))


def kernel(nodes, edges, receivers, senders, W, W_edge, a, ln_scale, ln_bias):
    wr = W.reshape(HF, D)
    a1r = a[:, :F].reshape(1, HF)
    a2r = a[:, F:2 * F].reshape(1, HF)
    a3 = a[:, 2 * F:]
    ce = jnp.einsum('hfd,hf->dh', W_edge, a3)
    cep = jnp.concatenate([ce, jnp.zeros((DE, 12), jnp.float32)], axis=1)
    wkron = jnp.kron(jnp.eye(8, dtype=jnp.float32), cep)
    edgesP = edges.reshape(E // 8, 128)

    pns, r16, eP = _prepare(nodes, edgesP, wr, wkron, a1r, a2r)

    e16 = eP.reshape(E, DE)
    acc2 = _edge_kernel(pns, r16, e16, senders, receivers)
    return _finalize(pns, r16, acc2, ln_scale, ln_bias)

# --- scband reference (transcript-rebuilt; emitter-appended) ---
"""Pipeline reference for scband-gat-66108136620603 (READ-ONLY COPY).

The authoritative reference and input builder live on the scoring server;
editing this copy changes nothing except your own understanding.
"""

import jax, jax.numpy as jnp
import numpy as np

N = 10000
E = 320000
D = 128
DE = 16
H = 4
F = 32  # att_features = features[0] / heads = 128 / 4


def setup_inputs(seed: int = 0) -> dict:
    key = jax.random.key(seed)
    ks = jax.random.split(key, 9)
    nodes = jax.random.normal(ks[0], (N, D), dtype=jnp.float32)
    edges = jax.random.normal(ks[1], (E, DE), dtype=jnp.float32)
    receivers = jax.random.randint(ks[2], (E,), 0, N, dtype=jnp.int32)
    senders = jax.random.randint(ks[3], (E,), 0, N, dtype=jnp.int32)
    # learned params per init_kwargs (features=[128], heads=4)
    W = jax.random.normal(ks[4], (H, F, D), dtype=jnp.float32) * jnp.sqrt(2.0 / D)        # he_normal
    W_edge = jax.random.normal(ks[5], (H, F, DE), dtype=jnp.float32) * jnp.sqrt(2.0 / DE)  # he_normal
    a = jax.random.normal(ks[6], (H, 3 * F), dtype=jnp.float32) * jnp.sqrt(2.0 / (3 * F + 1))  # xavier_normal
    ln_scale = jnp.ones((H * F,), dtype=jnp.float32)
    ln_bias = jnp.zeros((H * F,), dtype=jnp.float32)
    return {"nodes": nodes, "edges": edges, "receivers": receivers, "senders": senders,
            "W": W, "W_edge": W_edge, "a": a, "ln_scale": ln_scale, "ln_bias": ln_bias}


def reference(nodes, edges, receivers, senders, W, W_edge, a, ln_scale, ln_bias):
    total_num_nodes = nodes.shape[0]
    # add self edges
    self_idx = jnp.arange(total_num_nodes, dtype=receivers.dtype)
    recv = jnp.concatenate([receivers, self_idx], axis=0)
    send = jnp.concatenate([senders, self_idx], axis=0)
    ed = jnp.concatenate([edges, jnp.zeros((total_num_nodes, edges.shape[1]), edges.dtype)], axis=0)
    # gather node features along edges (SparseCore gather)
    sent_attributes = nodes[send]
    received_attributes = nodes[recv]
    # per-head linear projections
    W_senders = jnp.einsum('hfi,ei->ehf', W, sent_attributes)      # (Etot, H, F)
    W_receivers = jnp.einsum('hfi,ei->ehf', W, received_attributes)
    W_edges = jnp.einsum('hfi,ei->ehf', W_edge, ed)
    concat_message = jnp.concatenate([W_senders, W_receivers, W_edges], axis=-1)  # (Etot, H, 3F)
    message = jnp.einsum('hf,ehf->eh', a, concat_message)           # (Etot, H)
    leaky_message = jax.nn.leaky_relu(message)
    # numerically-stable softmax over incoming edges per receiver (segment ops)
    seg_max = jax.ops.segment_max(leaky_message, recv, num_segments=total_num_nodes)
    z = leaky_message - seg_max[recv]
    exp_z = jnp.exp(z)
    soft_norm = jax.ops.segment_sum(exp_z, recv, num_segments=total_num_nodes)
    alpha = exp_z / soft_norm[recv]                                  # (Etot, H)
    att_message = alpha[:, :, None] * W_senders                      # (Etot, H, F)
    aggr_messages = jax.ops.segment_sum(att_message, recv, num_segments=total_num_nodes)  # (N, H, F)
    concat_aggr = aggr_messages.reshape(total_num_nodes, H * F)
    new_nodes = jax.nn.elu(concat_aggr)
    # LayerNorm (flax defaults: eps=1e-6, learned scale+bias)
    mean = jnp.mean(new_nodes, axis=-1, keepdims=True)
    var = jnp.var(new_nodes, axis=-1, keepdims=True)
    new_nodes = (new_nodes - mean) / jnp.sqrt(var + 1e-6) * ln_scale + ln_bias
    return new_nodes

if __name__ == "__main__":
    import jax
    _d = setup_inputs()
    print(jax.jit(kernel)(*tuple(_d.values())))

</pallas_src>

<mosaic_0001>
#map = affine_map<(d0, d1) -> (0, 0)>
#map1 = affine_map<(d0, d1) -> (0)>
#map2 = affine_map<(d0, d1) -> (0, 0, 0)>
module attributes {stable_mosaic.version = 14 : i64} {
  func.func @_edge_body(%arg0: i32, %arg1: i32, %arg2: memref<10000x144xf32, #tpu.memory_space<hbm>>, %arg3: memref<10000x16xf32, #tpu.memory_space<hbm>>, %arg4: memref<320000x16xf32, #tpu.memory_space<hbm>>, %arg5: memref<320000xi32, #tpu.memory_space<hbm>>, %arg6: memref<320000xi32, #tpu.memory_space<hbm>>, %arg7: memref<2x10240x144xf32, #tpu.memory_space<hbm>>, %arg8: memref<80xi32, #tpu.memory_space<vmem>>, %arg9: memref<80xi32, #tpu.memory_space<vmem>>, %arg10: memref<80xi32, #tpu.memory_space<vmem>>, %arg11: memref<80xi32, #tpu.memory_space<vmem>>, %arg12: memref<80xi32, #tpu.memory_space<vmem>>, %arg13: memref<80xi32, #tpu.memory_space<vmem>>, %arg14: memref<80x144xf32, #tpu.memory_space<vmem>>, %arg15: memref<80x144xf32, #tpu.memory_space<vmem>>, %arg16: memref<80x16xf32, #tpu.memory_space<vmem>>, %arg17: memref<80x16xf32, #tpu.memory_space<vmem>>, %arg18: memref<80x16xf32, #tpu.memory_space<vmem>>, %arg19: memref<80x16xf32, #tpu.memory_space<vmem>>, %arg20: memref<!tpu.dma_semaphore, #tpu.memory_space<semaphore_mem>>, %arg21: memref<!tpu.dma_semaphore, #tpu.memory_space<semaphore_mem>>, %arg22: memref<!tpu.dma_semaphore, #tpu.memory_space<semaphore_mem>>, %arg23: memref<!tpu.dma_semaphore, #tpu.memory_space<semaphore_mem>>, %arg24: memref<!tpu.dma_semaphore, #tpu.memory_space<semaphore_mem>>, %arg25: memref<!tpu.dma_semaphore, #tpu.memory_space<semaphore_mem>>, %arg26: memref<10240x144xf32, #tpu.memory_space<vmem_shared>>) attributes {dimension_semantics = [#tpu.dimension_semantics<core_parallel>, #tpu.dimension_semantics<subcore_parallel>], iteration_bounds = array<i64: 2, 16>, scalar_prefetch = 0 : i64, scratch_operands = 19 : i64, tpu.core_type = #tpu.core_type<sc_vector_subcore>, window_params = [{transform_indices = #map}, {transform_indices = #map}, {transform_indices = #map}, {transform_indices = #map1}, {transform_indices = #map1}, {transform_indices = #map2}]} {
    %broadcast_in_dim3A = arith.constant 0.000000e+00 : f32
    %broadcast_in_dim3A_0 = vector.broadcast %broadcast_in_dim3A : f32 to vector<16xf32>
    %scan3A = arith.constant 0 : i32
    %scan3A_1 = arith.constant 0 : i32
    %scan3A_2 = arith.constant 720 : i32
    %scan3A_3 = arith.addi %scan3A_1, %scan3A_2 : i32
    %scan3A_4 = arith.constant 1 : i32
    %scan3A_5 = scf.for %scan3A_67 = %scan3A_1 to %scan3A_3 step %scan3A_4 iter_args(%scan3A_68 = %scan3A) -> (i32)  : i32 {
      %jit3A = arith.constant 9 : i32
      %div3A = arith.divsi %scan3A_67, %jit3A : i32
      %sign3A = arith.constant 0 : i32
      %sign3A_69 = arith.cmpi sgt, %scan3A_67, %sign3A : i32
      %sign3A_70 = arith.extui %sign3A_69 : i1 to i32
      %sign3A_71 = arith.constant 0 : i32
      %sign3A_72 = arith.cmpi slt, %scan3A_67, %sign3A_71 : i32
      %sign3A_73 = arith.extui %sign3A_72 : i1 to i32
      %sign3A_74 = arith.subi %sign3A_70, %sign3A_73 : i32
      %sign3A_75 = arith.constant 0 : i32
      %sign3A_76 = arith.cmpi sgt, %jit3A, %sign3A_75 : i32
      %sign3A_77 = arith.extui %sign3A_76 : i1 to i32
      %sign3A_78 = arith.constant 0 : i32
      %sign3A_79 = arith.cmpi slt, %jit3A, %sign3A_78 : i32
      %sign3A_80 = arith.extui %sign3A_79 : i1 to i32
      %sign3A_81 = arith.subi %sign3A_77, %sign3A_80 : i32
      %ne3A = arith.cmpi ne, %sign3A_74, %sign3A_81 : i32
      %rem3A = arith.remsi %scan3A_67, %jit3A : i32
      %ne3A_82 = arith.constant 0 : i32
      %ne3A_83 = arith.cmpi ne, %rem3A, %ne3A_82 : i32
      %and3A = arith.andi %ne3A, %ne3A_83 : i1
      %sub3A = arith.constant 1 : i32
      %sub3A_84 = arith.subi %div3A, %sub3A : i32
      %select_n3A = arith.select %and3A, %sub3A_84, %div3A : i32
      %jit3A_85 = arith.constant 9 : i32
      %eq3A = arith.constant 0 : i32
      %eq3A_86 = arith.cmpi eq, %jit3A_85, %eq3A : i32
      %jit3A_87 = arith.constant 1 : i32
      %select_n3A_88 = arith.select %eq3A_86, %jit3A_87, %jit3A_85 : i32
      %rem3A_89 = arith.remsi %scan3A_67, %select_n3A_88 : i32
      %ne3A_90 = arith.constant 0 : i32
      %ne3A_91 = arith.cmpi ne, %rem3A_89, %ne3A_90 : i32
      %lt3A = arith.constant 0 : i32
      %lt3A_92 = arith.cmpi slt, %rem3A_89, %lt3A : i32
      %lt3A_93 = arith.constant 0 : i32
      %lt3A_94 = arith.cmpi slt, %select_n3A_88, %lt3A_93 : i32
      %ne3A_95 = arith.xori %lt3A_92, %lt3A_94 : i1
      %and3A_96 = arith.andi %ne3A_95, %ne3A_91 : i1
      %add3A_97 = arith.addi %rem3A_89, %select_n3A_88 : i32
      %select_n3A_98 = arith.select %and3A_96, %add3A_97, %rem3A_89 : i32
      %mul3A_99 = arith.constant 16 : i32
      %mul3A_100 = arith.muli %select_n3A_98, %mul3A_99 : i32
      %swap3A = arith.index_cast %select_n3A : i32 to index
      %swap3A_101 = arith.index_cast %mul3A_100 : i32 to index
      %swap3A_102 = tpu.vector_load %arg14[%swap3A, %swap3A_101] {strides = array<i32>} : memref<80x144xf32, #tpu.memory_space<vmem>>, vector<1x16xf32>,
      %swap3A_103 = vector.shape_cast %swap3A_102 : vector<1x16xf32> to vector<16xf32>
      %swap3A_104 = vector.shape_cast %broadcast_in_dim3A_0 : vector<16xf32> to vector<1x16xf32>
      tpu.vector_store %arg14[%swap3A, %swap3A_101], %swap3A_104 {strides = array<i32>} : memref<80x144xf32, #tpu.memory_space<vmem>>, vector<1x16xf32>,
      %scan3A_105 = arith.constant 0 : i32
      scf.yield %scan3A_105 : i32
    }
    %scan3A_6 = arith.constant 720 : i32
    %mul3A = arith.constant 640 : i32
    %mul3A_7 = arith.muli %arg1, %mul3A : i32
    %add3A = arith.constant 0 : i32
    %add3A_8 = arith.addi %mul3A_7, %add3A : i32
    "tpu.region"() ({
      %run_scoped3A = tpu.sem_alloc : memref<!tpu.dma_semaphore, #tpu.memory_space<semaphore_mem>>
      %dma_start3A_67 = arith.constant 0 : i32
      %dma_start3A_68 = tpu.memref_slice %arg26[%add3A_8, %dma_start3A_67] : memref<10240x144xf32, #tpu.memory_space<vmem_shared>> -> memref<80x144xf32, #tpu.memory_space<vmem_shared>>
      %dma_start3A_69 = arith.constant 0 : i32
      %dma_start3A_70 = tpu.memref_slice %arg26[%add3A_8, %dma_start3A_69] : memref<10240x144xf32, #tpu.memory_space<vmem_shared>> -> memref<80x144xf32, #tpu.memory_space<vmem_shared>>
      tpu.enqueue_dma source(%arg14 : memref<80x144xf32, #tpu.memory_space<vmem>>) target(%dma_start3A_70 : memref<80x144xf32, #tpu.memory_space<vmem_shared>>) target_semaphore(%run_scoped3A : memref<!tpu.dma_semaphore, #tpu.memory_space<semaphore_mem>>)
      %dma_wait3A_71 = arith.constant 0 : i32
      %dma_wait3A_72 = tpu.memref_slice %arg26[%add3A_8, %dma_wait3A_71] : memref<10240x144xf32, #tpu.memory_space<vmem_shared>> -> memref<80x144xf32, #tpu.memory_space<vmem_shared>>
      %dma_wait3A_73 = arith.constant 0 : i32
      %dma_wait3A_74 = tpu.memref_slice %arg26[%add3A_8, %dma_wait3A_73] : memref<10240x144xf32, #tpu.memory_space<vmem_shared>> -> memref<80x144xf32, #tpu.memory_space<vmem_shared>>
      tpu.wait_dma2 semaphore(%run_scoped3A : memref<!tpu.dma_semaphore, #tpu.memory_space<semaphore_mem>>) src(%arg14 : memref<80x144xf32, #tpu.memory_space<vmem>>) dst(%dma_wait3A_74 : memref<80x144xf32, #tpu.memory_space<vmem_shared>>)
      tpu.yield
    }) : () -> ()
    %add3A_9 = arith.constant 80 : i32
    %add3A_10 = arith.addi %mul3A_7, %add3A_9 : i32
    "tpu.region"() ({
      %run_scoped3A = tpu.sem_alloc : memref<!tpu.dma_semaphore, #tpu.memory_space<semaphore_mem>>
      %dma_start3A_67 = arith.constant 0 : i32
      %dma_start3A_68 = tpu.memref_slice %arg26[%add3A_10, %dma_start3A_67] : memref<10240x144xf32, #tpu.memory_space<vmem_shared>> -> memref<80x144xf32, #tpu.memory_space<vmem_shared>>
      %dma_start3A_69 = arith.constant 0 : i32
      %dma_start3A_70 = tpu.memref_slice %arg26[%add3A_10, %dma_start3A_69] : memref<10240x144xf32, #tpu.memory_space<vmem_shared>> -> memref<80x144xf32, #tpu.memory_space<vmem_shared>>
      tpu.enqueue_dma source(%arg14 : memref<80x144xf32, #tpu.memory_space<vmem>>) target(%dma_start3A_70 : memref<80x144xf32, #tpu.memory_space<vmem_shared>>) target_semaphore(%run_scoped3A : memref<!tpu.dma_semaphore, #tpu.memory_space<semaphore_mem>>)
      %dma_wait3A_71 = arith.constant 0 : i32
      %dma_wait3A_72 = tpu.memref_slice %arg26[%add3A_10, %dma_wait3A_71] : memref<10240x144xf32, #tpu.memory_space<vmem_shared>> -> memref<80x144xf32, #tpu.memory_space<vmem_shared>>
      %dma_wait3A_73 = arith.constant 0 : i32
      %dma_wait3A_74 = tpu.memref_slice %arg26[%add3A_10, %dma_wait3A_73] : memref<10240x144xf32, #tpu.memory_space<vmem_shared>> -> memref<80x144xf32, #tpu.memory_space<vmem_shared>>
      tpu.wait_dma2 semaphore(%run_scoped3A : memref<!tpu.dma_semaphore, #tpu.memory_space<semaphore_mem>>) src(%arg14 : memref<80x144xf32, #tpu.memory_space<vmem>>) dst(%dma_wait3A_74 : memref<80x144xf32, #tpu.memory_space<vmem_shared>>)
      tpu.yield
    }) : () -> ()
    %add3A_11 = arith.constant 160 : i32
    %add3A_12 = arith.addi %mul3A_7, %add3A_11 : i32
    "tpu.region"() ({
      %run_scoped3A = tpu.sem_alloc : memref<!tpu.dma_semaphore, #tpu.memory_space<semaphore_mem>>
      %dma_start3A_67 = arith.constant 0 : i32
      %dma_start3A_68 = tpu.memref_slice %arg26[%add3A_12, %dma_start3A_67] : memref<10240x144xf32, #tpu.memory_space<vmem_shared>> -> memref<80x144xf32, #tpu.memory_space<vmem_shared>>
      %dma_start3A_69 = arith.constant 0 : i32
      %dma_start3A_70 = tpu.memref_slice %arg26[%add3A_12, %dma_start3A_69] : memref<10240x144xf32, #tpu.memory_space<vmem_shared>> -> memref<80x144xf32, #tpu.memory_space<vmem_shared>>
      tpu.enqueue_dma source(%arg14 : memref<80x144xf32, #tpu.memory_space<vmem>>) target(%dma_start3A_70 : memref<80x144xf32, #tpu.memory_space<vmem_shared>>) target_semaphore(%run_scoped3A : memref<!tpu.dma_semaphore, #tpu.memory_space<semaphore_mem>>)
      %dma_wait3A_71 = arith.constant 0 : i32
      %dma_wait3A_72 = tpu.memref_slice %arg26[%add3A_12, %dma_wait3A_71] : memref<10240x144xf32, #tpu.memory_space<vmem_shared>> -> memref<80x144xf32, #tpu.memory_space<vmem_shared>>
      %dma_wait3A_73 = arith.constant 0 : i32
      %dma_wait3A_74 = tpu.memref_slice %arg26[%add3A_12, %dma_wait3A_73] : memref<10240x144xf32, #tpu.memory_space<vmem_shared>> -> memref<80x144xf32, #tpu.memory_space<vmem_shared>>
      tpu.wait_dma2 semaphore(%run_scoped3A : memref<!tpu.dma_semaphore, #tpu.memory_space<semaphore_mem>>) src(%arg14 : memref<80x144xf32, #tpu.memory_space<vmem>>) dst(%dma_wait3A_74 : memref<80x144xf32, #tpu.memory_space<vmem_shared>>)
      tpu.yield
    }) : () -> ()
    %add3A_13 = arith.constant 240 : i32
    %add3A_14 = arith.addi %mul3A_7, %add3A_13 : i32
    "tpu.region"() ({
      %run_scoped3A = tpu.sem_alloc : memref<!tpu.dma_semaphore, #tpu.memory_space<semaphore_mem>>
      %dma_start3A_67 = arith.constant 0 : i32
      %dma_start3A_68 = tpu.memref_slice %arg26[%add3A_14, %dma_start3A_67] : memref<10240x144xf32, #tpu.memory_space<vmem_shared>> -> memref<80x144xf32, #tpu.memory_space<vmem_shared>>
      %dma_start3A_69 = arith.constant 0 : i32
      %dma_start3A_70 = tpu.memref_slice %arg26[%add3A_14, %dma_start3A_69] : memref<10240x144xf32, #tpu.memory_space<vmem_shared>> -> memref<80x144xf32, #tpu.memory_space<vmem_shared>>
      tpu.enqueue_dma source(%arg14 : memref<80x144xf32, #tpu.memory_space<vmem>>) target(%dma_start3A_70 : memref<80x144xf32, #tpu.memory_space<vmem_shared>>) target_semaphore(%run_scoped3A : memref<!tpu.dma_semaphore, #tpu.memory_space<semaphore_mem>>)
      %dma_wait3A_71 = arith.constant 0 : i32
      %dma_wait3A_72 = tpu.memref_slice %arg26[%add3A_14, %dma_wait3A_71] : memref<10240x144xf32, #tpu.memory_space<vmem_shared>> -> memref<80x144xf32, #tpu.memory_space<vmem_shared>>
      %dma_wait3A_73 = arith.constant 0 : i32
      %dma_wait3A_74 = tpu.memref_slice %arg26[%add3A_14, %dma_wait3A_73] : memref<10240x144xf32, #tpu.memory_space<vmem_shared>> -> memref<80x144xf32, #tpu.memory_space<vmem_shared>>
      tpu.wait_dma2 semaphore(%run_scoped3A : memref<!tpu.dma_semaphore, #tpu.memory_space<semaphore_mem>>) src(%arg14 : memref<80x144xf32, #tpu.memory_space<vmem>>) dst(%dma_wait3A_74 : memref<80x144xf32, #tpu.memory_space<vmem_shared>>)
      tpu.yield
    }) : () -> ()
    %add3A_15 = arith.constant 320 : i32
    %add3A_16 = arith.addi %mul3A_7, %add3A_15 : i32
    "tpu.region"() ({
      %run_scoped3A = tpu.sem_alloc : memref<!tpu.dma_semaphore, #tpu.memory_space<semaphore_mem>>
      %dma_start3A_67 = arith.constant 0 : i32
      %dma_start3A_68 = tpu.memref_slice %arg26[%add3A_16, %dma_start3A_67] : memref<10240x144xf32, #tpu.memory_space<vmem_shared>> -> memref<80x144xf32, #tpu.memory_space<vmem_shared>>
      %dma_start3A_69 = arith.constant 0 : i32
      %dma_start3A_70 = tpu.memref_slice %arg26[%add3A_16, %dma_start3A_69] : memref<10240x144xf32, #tpu.memory_space<vmem_shared>> -> memref<80x144xf32, #tpu.memory_space<vmem_shared>>
      tpu.enqueue_dma source(%arg14 : memref<80x144xf32, #tpu.memory_space<vmem>>) target(%dma_start3A_70 : memref<80x144xf32, #tpu.memory_space<vmem_shared>>) target_semaphore(%run_scoped3A : memref<!tpu.dma_semaphore, #tpu.memory_space<semaphore_mem>>)
      %dma_wait3A_71 = arith.constant 0 : i32
      %dma_wait3A_72 = tpu.memref_slice %arg26[%add3A_16, %dma_wait3A_71] : memref<10240x144xf32, #tpu.memory_space<vmem_shared>> -> memref<80x144xf32, #tpu.memory_space<vmem_shared>>
      %dma_wait3A_73 = arith.constant 0 : i32
      %dma_wait3A_74 = tpu.memref_slice %arg26[%add3A_16, %dma_wait3A_73] : memref<10240x144xf32, #tpu.memory_space<vmem_shared>> -> memref<80x144xf32, #tpu.memory_space<vmem_shared>>
      tpu.wait_dma2 semaphore(%run_scoped3A : memref<!tpu.dma_semaphore, #tpu.memory_space<semaphore_mem>>) src(%arg14 : memref<80x144xf32, #tpu.memory_space<vmem>>) dst(%dma_wait3A_74 : memref<80x144xf32, #tpu.memory_space<vmem_shared>>)
      tpu.yield
    }) : () -> ()
    %add3A_17 = arith.constant 400 : i32
    %add3A_18 = arith.addi %mul3A_7, %add3A_17 : i32
    "tpu.region"() ({
      %run_scoped3A = tpu.sem_alloc : memref<!tpu.dma_semaphore, #tpu.memory_space<semaphore_mem>>
      %dma_start3A_67 = arith.constant 0 : i32
      %dma_start3A_68 = tpu.memref_slice %arg26[%add3A_18, %dma_start3A_67] : memref<10240x144xf32, #tpu.memory_space<vmem_shared>> -> memref<80x144xf32, #tpu.memory_space<vmem_shared>>
      %dma_start3A_69 = arith.constant 0 : i32
      %dma_start3A_70 = tpu.memref_slice %arg26[%add3A_18, %dma_start3A_69] : memref<10240x144xf32, #tpu.memory_space<vmem_shared>> -> memref<80x144xf32, #tpu.memory_space<vmem_shared>>
      tpu.enqueue_dma source(%arg14 : memref<80x144xf32, #tpu.memory_space<vmem>>) target(%dma_start3A_70 : memref<80x144xf32, #tpu.memory_space<vmem_shared>>) target_semaphore(%run_scoped3A : memref<!tpu.dma_semaphore, #tpu.memory_space<semaphore_mem>>)
      %dma_wait3A_71 = arith.constant 0 : i32
      %dma_wait3A_72 = tpu.memref_slice %arg26[%add3A_18, %dma_wait3A_71] : memref<10240x144xf32, #tpu.memory_space<vmem_shared>> -> memref<80x144xf32, #tpu.memory_space<vmem_shared>>
      %dma_wait3A_73 = arith.constant 0 : i32
      %dma_wait3A_74 = tpu.memref_slice %arg26[%add3A_18, %dma_wait3A_73] : memref<10240x144xf32, #tpu.memory_space<vmem_shared>> -> memref<80x144xf32, #tpu.memory_space<vmem_shared>>
      tpu.wait_dma2 semaphore(%run_scoped3A : memref<!tpu.dma_semaphore, #tpu.memory_space<semaphore_mem>>) src(%arg14 : memref<80x144xf32, #tpu.memory_space<vmem>>) dst(%dma_wait3A_74 : memref<80x144xf32, #tpu.memory_space<vmem_shared>>)
      tpu.yield
    }) : () -> ()
    %add3A_19 = arith.constant 480 : i32
    %add3A_20 = arith.addi %mul3A_7, %add3A_19 : i32
    "tpu.region"() ({
      %run_scoped3A = tpu.sem_alloc : memref<!tpu.dma_semaphore, #tpu.memory_space<semaphore_mem>>
      %dma_start3A_67 = arith.constant 0 : i32
      %dma_start3A_68 = tpu.memref_slice %arg26[%add3A_20, %dma_start3A_67] : memref<10240x144xf32, #tpu.memory_space<vmem_shared>> -> memref<80x144xf32, #tpu.memory_space<vmem_shared>>
      %dma_start3A_69 = arith.constant 0 : i32
      %dma_start3A_70 = tpu.memref_slice %arg26[%add3A_20, %dma_start3A_69] : memref<10240x144xf32, #tpu.memory_space<vmem_shared>> -> memref<80x144xf32, #tpu.memory_space<vmem_shared>>
      tpu.enqueue_dma source(%arg14 : memref<80x144xf32, #tpu.memory_space<vmem>>) target(%dma_start3A_70 : memref<80x144xf32, #tpu.memory_space<vmem_shared>>) target_semaphore(%run_scoped3A : memref<!tpu.dma_semaphore, #tpu.memory_space<semaphore_mem>>)
      %dma_wait3A_71 = arith.constant 0 : i32
      %dma_wait3A_72 = tpu.memref_slice %arg26[%add3A_20, %dma_wait3A_71] : memref<10240x144xf32, #tpu.memory_space<vmem_shared>> -> memref<80x144xf32, #tpu.memory_space<vmem_shared>>
      %dma_wait3A_73 = arith.constant 0 : i32
      %dma_wait3A_74 = tpu.memref_slice %arg26[%add3A_20, %dma_wait3A_73] : memref<10240x144xf32, #tpu.memory_space<vmem_shared>> -> memref<80x144xf32, #tpu.memory_space<vmem_shared>>
      tpu.wait_dma2 semaphore(%run_scoped3A : memref<!tpu.dma_semaphore, #tpu.memory_space<semaphore_mem>>) src(%arg14 : memref<80x144xf32, #tpu.memory_space<vmem>>) dst(%dma_wait3A_74 : memref<80x144xf32, #tpu.memory_space<vmem_shared>>)
      tpu.yield
    }) : () -> ()
    %add3A_21 = arith.constant 560 : i32
    %add3A_22 = arith.addi %mul3A_7, %add3A_21 : i32
    "tpu.region"() ({
      %run_scoped3A = tpu.sem_alloc : memref<!tpu.dma_semaphore, #tpu.memory_space<semaphore_mem>>
      %dma_start3A_67 = arith.constant 0 : i32
      %dma_start3A_68 = tpu.memref_slice %arg26[%add3A_22, %dma_start3A_67] : memref<10240x144xf32, #tpu.memory_space<vmem_shared>> -> memref<80x144xf32, #tpu.memory_space<vmem_shared>>
      %dma_start3A_69 = arith.constant 0 : i32
      %dma_start3A_70 = tpu.memref_slice %arg26[%add3A_22, %dma_start3A_69] : memref<10240x144xf32, #tpu.memory_space<vmem_shared>> -> memref<80x144xf32, #tpu.memory_space<vmem_shared>>
      tpu.enqueue_dma source(%arg14 : memref<80x144xf32, #tpu.memory_space<vmem>>) target(%dma_start3A_70 : memref<80x144xf32, #tpu.memory_space<vmem_shared>>) target_semaphore(%run_scoped3A : memref<!tpu.dma_semaphore, #tpu.memory_space<semaphore_mem>>)
      %dma_wait3A_71 = arith.constant 0 : i32
      %dma_wait3A_72 = tpu.memref_slice %arg26[%add3A_22, %dma_wait3A_71] : memref<10240x144xf32, #tpu.memory_space<vmem_shared>> -> memref<80x144xf32, #tpu.memory_space<vmem_shared>>
      %dma_wait3A_73 = arith.constant 0 : i32
      %dma_wait3A_74 = tpu.memref_slice %arg26[%add3A_22, %dma_wait3A_73] : memref<10240x144xf32, #tpu.memory_space<vmem_shared>> -> memref<80x144xf32, #tpu.memory_space<vmem_shared>>
      tpu.wait_dma2 semaphore(%run_scoped3A : memref<!tpu.dma_semaphore, #tpu.memory_space<semaphore_mem>>) src(%arg14 : memref<80x144xf32, #tpu.memory_space<vmem>>) dst(%dma_wait3A_74 : memref<80x144xf32, #tpu.memory_space<vmem_shared>>)
      tpu.yield
    }) : () -> ()
    %barrier3A = arith.constant 0 : index
    tpu.barrier barrier_id(%barrier3A)
    %mul3A_23 = arith.constant 16 : i32
    %mul3A_24 = arith.muli %arg0, %mul3A_23 : i32
    %add3A_25 = arith.addi %mul3A_24, %arg1 : i32
    %mul3A_26 = arith.constant 10000 : i32
    %mul3A_27 = arith.muli %add3A_25, %mul3A_26 : i32
    %add3A_28 = arith.constant 0 : i32
    %add3A_29 = arith.addi %mul3A_27, %add3A_28 : i32
    %dma_start3A = tpu.memref_slice %arg5[%add3A_29] : memref<320000xi32, #tpu.memory_space<hbm>> -> memref<80xi32, #tpu.memory_space<hbm>>
    %dma_start3A_30 = tpu.memref_slice %arg5[%add3A_29] : memref<320000xi32, #tpu.memory_space<hbm>> -> memref<80xi32, #tpu.memory_space<hbm>>
    tpu.enqueue_dma source(%dma_start3A_30 : memref<80xi32, #tpu.memory_space<hbm>>) target(%arg8 : memref<80xi32, #tpu.memory_space<vmem>>) target_semaphore(%arg22 : memref<!tpu.dma_semaphore, #tpu.memory_space<semaphore_mem>>)
    %dma_start3A_31 = tpu.memref_slice %arg6[%add3A_29] : memref<320000xi32, #tpu.memory_space<hbm>> -> memref<80xi32, #tpu.memory_space<hbm>>
    %dma_start3A_32 = tpu.memref_slice %arg6[%add3A_29] : memref<320000xi32, #tpu.memory_space<hbm>> -> memref<80xi32, #tpu.memory_space<hbm>>
    tpu.enqueue_dma source(%dma_start3A_32 : memref<80xi32, #tpu.memory_space<hbm>>) target(%arg10 : memref<80xi32, #tpu.memory_space<vmem>>) target_semaphore(%arg22 : memref<!tpu.dma_semaphore, #tpu.memory_space<semaphore_mem>>)
    %add3A_33 = arith.constant 80 : i32
    %add3A_34 = arith.addi %mul3A_27, %add3A_33 : i32
    %dma_start3A_35 = tpu.memref_slice %arg5[%add3A_34] : memref<320000xi32, #tpu.memory_space<hbm>> -> memref<80xi32, #tpu.memory_space<hbm>>
    %dma_start3A_36 = tpu.memref_slice %arg5[%add3A_34] : memref<320000xi32, #tpu.memory_space<hbm>> -> memref<80xi32, #tpu.memory_space<hbm>>
    tpu.enqueue_dma source(%dma_start3A_36 : memref<80xi32, #tpu.memory_space<hbm>>) target(%arg9 : memref<80xi32, #tpu.memory_space<vmem>>) target_semaphore(%arg23 : memref<!tpu.dma_semaphore, #tpu.memory_space<semaphore_mem>>)
    %dma_start3A_37 = tpu.memref_slice %arg6[%add3A_34] : memref<320000xi32, #tpu.memory_space<hbm>> -> memref<80xi32, #tpu.memory_space<hbm>>
    %dma_start3A_38 = tpu.memref_slice %arg6[%add3A_34] : memref<320000xi32, #tpu.memory_space<hbm>> -> memref<80xi32, #tpu.memory_space<hbm>>
    tpu.enqueue_dma source(%dma_start3A_38 : memref<80xi32, #tpu.memory_space<hbm>>) target(%arg11 : memref<80xi32, #tpu.memory_space<vmem>>) target_semaphore(%arg23 : memref<!tpu.dma_semaphore, #tpu.memory_space<semaphore_mem>>)
    %add3A_39 = arith.constant 0 : i32
    %add3A_40 = arith.addi %mul3A_27, %add3A_39 : i32
    %dma_wait3A = tpu.memref_slice %arg5[%add3A_40] : memref<320000xi32, #tpu.memory_space<hbm>> -> memref<80xi32, #tpu.memory_space<hbm>>
    %dma_wait3A_41 = tpu.memref_slice %arg5[%add3A_40] : memref<320000xi32, #tpu.memory_space<hbm>> -> memref<80xi32, #tpu.memory_space<hbm>>
    tpu.wait_dma2 semaphore(%arg22 : memref<!tpu.dma_semaphore, #tpu.memory_space<semaphore_mem>>) src(%dma_wait3A_41 : memref<80xi32, #tpu.memory_space<hbm>>) dst(%arg8 : memref<80xi32, #tpu.memory_space<vmem>>)
    %dma_wait3A_42 = tpu.memref_slice %arg6[%add3A_40] : memref<320000xi32, #tpu.memory_space<hbm>> -> memref<80xi32, #tpu.memory_space<hbm>>
    %dma_wait3A_43 = tpu.memref_slice %arg6[%add3A_40] : memref<320000xi32, #tpu.memory_space<hbm>> -> memref<80xi32, #tpu.memory_space<hbm>>
    tpu.wait_dma2 semaphore(%arg22 : memref<!tpu.dma_semaphore, #tpu.memory_space<semaphore_mem>>) src(%dma_wait3A_43 : memref<80xi32, #tpu.memory_space<hbm>>) dst(%arg10 : memref<80xi32, #tpu.memory_space<vmem>>)
    %add3A_44 = arith.constant 0 : i32
    %add3A_45 = arith.addi %mul3A_27, %add3A_44 : i32
    %dma_start3A_46 = arith.constant 0 : i32
    %dma_start3A_47 = arith.constant 0 : i32
    %dma_start3A_48 = tpu.memref_slice %arg2[%dma_start3A_46, %dma_start3A_47] : memref<10000x144xf32, #tpu.memory_space<hbm>> -> memref<10000x144xf32, #tpu.memory_space<hbm>>
    tpu.enqueue_indirect_dma source(%dma_start3A_48 : memref<10000x144xf32, #tpu.memory_space<hbm>>) target(%arg14 : memref<80x144xf32, #tpu.memory_space<vmem>>) offsets(%arg8 : memref<80xi32, #tpu.memory_space<vmem>>) semaphore(%arg20 : memref<!tpu.dma_semaphore, #tpu.memory_space<semaphore_mem>>)
    %dma_start3A_49 = arith.constant 0 : i32
    %dma_start3A_50 = arith.constant 0 : i32
    %dma_start3A_51 = tpu.memref_slice %arg3[%dma_start3A_49, %dma_start3A_50] : memref<10000x16xf32, #tpu.memory_space<hbm>> -> memref<10000x16xf32, #tpu.memory_space<hbm>>
    tpu.enqueue_indirect_dma source(%dma_start3A_51 : memref<10000x16xf32, #tpu.memory_space<hbm>>) target(%arg16 : memref<80x16xf32, #tpu.memory_space<vmem>>) offsets(%arg10 : memref<80xi32, #tpu.memory_space<vmem>>) semaphore(%arg20 : memref<!tpu.dma_semaphore, #tpu.memory_space<semaphore_mem>>)
    %dma_start3A_52 = arith.constant 0 : i32
    %dma_start3A_53 = tpu.memref_slice %arg4[%add3A_45, %dma_start3A_52] : memref<320000x16xf32, #tpu.memory_space<hbm>> -> memref<80x16xf32, #tpu.memory_space<hbm>>
    %dma_start3A_54 = arith.constant 0 : i32
    %dma_start3A_55 = tpu.memref_slice %arg4[%add3A_45, %dma_start3A_54] : memref<320000x16xf32, #tpu.memory_space<hbm>> -> memref<80x16xf32, #tpu.memory_space<hbm>>
    tpu.enqueue_dma source(%dma_start3A_55 : memref<80x16xf32, #tpu.memory_space<hbm>>) target(%arg18 : memref<80x16xf32, #tpu.memory_space<vmem>>) target_semaphore(%arg20 : memref<!tpu.dma_semaphore, #tpu.memory_space<semaphore_mem>>)
    %scan3A_56 = arith.constant 0 : i32
    %scan3A_57 = arith.constant 0 : i32
    %scan3A_58 = arith.constant 125 : i32
    %scan3A_59 = arith.addi %scan3A_57, %scan3A_58 : i32
    %scan3A_60 = arith.constant 1 : i32
    %scan3A_61 = scf.for %scan3A_67 = %scan3A_57 to %scan3A_59 step %scan3A_60 iter_args(%scan3A_68 = %scan3A_56) -> (i32)  : i32 {
      %jit3A = arith.constant 2 : i32
      %eq3A = arith.constant 0 : i32
      %eq3A_69 = arith.cmpi eq, %jit3A, %eq3A : i32
      %jit3A_70 = arith.constant 1 : i32
      %select_n3A = arith.select %eq3A_69, %jit3A_70, %jit3A : i32
      %rem3A = arith.remsi %scan3A_67, %select_n3A : i32
      %ne3A = arith.constant 0 : i32
      %ne3A_71 = arith.cmpi ne, %rem3A, %ne3A : i32
      %lt3A = arith.constant 0 : i32
      %lt3A_72 = arith.cmpi slt, %rem3A, %lt3A : i32
      %lt3A_73 = arith.constant 0 : i32
      %lt3A_74 = arith.cmpi slt, %select_n3A, %lt3A_73 : i32
      %ne3A_75 = arith.xori %lt3A_72, %lt3A_74 : i1
      %and3A = arith.andi %ne3A_75, %ne3A_71 : i1
      %add3A_76 = arith.addi %rem3A, %select_n3A : i32
      %select_n3A_77 = arith.select %and3A, %add3A_76, %rem3A : i32
      %eq3A_78 = arith.constant 0 : i32
      %eq3A_79 = arith.cmpi eq, %select_n3A_77, %eq3A_78 : i32
      %convert_element_type3A = arith.extui %eq3A_79 : i1 to i32
      %cond3A = arith.constant 0 : i32
      %cond3A_80 = arith.cmpi ne, %convert_element_type3A, %cond3A : i32
      scf.if %cond3A_80 {
        %mul3A_103 = arith.constant 80 : i32
        %mul3A_104 = arith.muli %scan3A_67, %mul3A_103 : i32
        %add3A_105 = arith.addi %mul3A_27, %mul3A_104 : i32
        %dma_wait3A_106 = arith.constant 0 : i32
        %dma_wait3A_107 = arith.constant 0 : i32
        %dma_wait3A_108 = tpu.memref_slice %arg2[%dma_wait3A_106, %dma_wait3A_107] : memref<10000x144xf32, #tpu.memory_space<hbm>> -> memref<10000x144xf32, #tpu.memory_space<hbm>>
        tpu.wait_indirect_dma semaphore(%arg20 : memref<!tpu.dma_semaphore, #tpu.memory_space<semaphore_mem>>) src(%dma_wait3A_108 : memref<10000x144xf32, #tpu.memory_space<hbm>>) dst(%arg14 : memref<80x144xf32, #tpu.memory_space<vmem>>)
        %dma_wait3A_109 = arith.constant 0 : i32
        %dma_wait3A_110 = arith.constant 0 : i32
        %dma_wait3A_111 = tpu.memref_slice %arg3[%dma_wait3A_109, %dma_wait3A_110] : memref<10000x16xf32, #tpu.memory_space<hbm>> -> memref<10000x16xf32, #tpu.memory_space<hbm>>
        tpu.wait_indirect_dma semaphore(%arg20 : memref<!tpu.dma_semaphore, #tpu.memory_space<semaphore_mem>>) src(%dma_wait3A_111 : memref<10000x16xf32, #tpu.memory_space<hbm>>) dst(%arg16 : memref<80x16xf32, #tpu.memory_space<vmem>>)
        %dma_wait3A_112 = arith.constant 0 : i32
        %dma_wait3A_113 = tpu.memref_slice %arg4[%add3A_105, %dma_wait3A_112] : memref<320000x16xf32, #tpu.memory_space<hbm>> -> memref<80x16xf32, #tpu.memory_space<hbm>>
        %dma_wait3A_114 = arith.constant 0 : i32
        %dma_wait3A_115 = tpu.memref_slice %arg4[%add3A_105, %dma_wait3A_114] : memref<320000x16xf32, #tpu.memory_space<hbm>> -> memref<80x16xf32, #tpu.memory_space<hbm>>
        tpu.wait_dma2 semaphore(%arg20 : memref<!tpu.dma_semaphore, #tpu.memory_space<semaphore_mem>>) src(%dma_wait3A_115 : memref<80x16xf32, #tpu.memory_space<hbm>>) dst(%arg18 : memref<80x16xf32, #tpu.memory_space<vmem>>)
        %ge3A = arith.constant 1 : i32
        %ge3A_116 = arith.cmpi sge, %scan3A_67, %ge3A : i32
        %convert_element_type3A_117 = arith.extui %ge3A_116 : i1 to i32
        %cond3A_118 = arith.constant 0 : i32
        %cond3A_119 = arith.cmpi ne, %convert_element_type3A_117, %cond3A_118 : i32
        scf.if %cond3A_119 {
          %dma_wait3A_177 = arith.constant 0 : i32
          %dma_wait3A_178 = arith.constant 0 : i32
          %dma_wait3A_179 = tpu.memref_slice %arg26[%dma_wait3A_177, %dma_wait3A_178] : memref<10240x144xf32, #tpu.memory_space<vmem_shared>> -> memref<10240x144xf32, #tpu.memory_space<vmem_shared>>
          tpu.wait_indirect_dma semaphore(%arg25 : memref<!tpu.dma_semaphore, #tpu.memory_space<semaphore_mem>>) src(%arg15 : memref<80x144xf32, #tpu.memory_space<vmem>>) dst(%dma_wait3A_179 : memref<10240x144xf32, #tpu.memory_space<vmem_shared>>)
        } else {
        }
        %add3A_120 = arith.constant 1 : i32
        %add3A_121 = arith.addi %scan3A_67, %add3A_120 : i32
        %lt3A_122 = arith.constant 125 : i32
        %lt3A_123 = arith.cmpi slt, %add3A_121, %lt3A_122 : i32
        %convert_element_type3A_124 = arith.extui %lt3A_123 : i1 to i32
        %cond3A_125 = arith.constant 0 : i32
        %cond3A_126 = arith.cmpi ne, %convert_element_type3A_124, %cond3A_125 : i32
        scf.if %cond3A_126 {
          %add3A_177 = arith.constant 1 : i32
          %add3A_178 = arith.addi %scan3A_67, %add3A_177 : i32
          %mul3A_179 = arith.constant 80 : i32
          %mul3A_180 = arith.muli %add3A_178, %mul3A_179 : i32
          %add3A_181 = arith.addi %mul3A_27, %mul3A_180 : i32
          %dma_wait3A_182 = tpu.memref_slice %arg5[%add3A_181] : memref<320000xi32, #tpu.memory_space<hbm>> -> memref<80xi32, #tpu.memory_space<hbm>>
          %dma_wait3A_183 = tpu.memref_slice %arg5[%add3A_181] : memref<320000xi32, #tpu.memory_space<hbm>> -> memref<80xi32, #tpu.memory_space<hbm>>
          tpu.wait_dma2 semaphore(%arg23 : memref<!tpu.dma_semaphore, #tpu.memory_space<semaphore_mem>>) src(%dma_wait3A_183 : memref<80xi32, #tpu.memory_space<hbm>>) dst(%arg9 : memref<80xi32, #tpu.memory_space<vmem>>)
          %dma_wait3A_184 = tpu.memref_slice %arg6[%add3A_181] : memref<320000xi32, #tpu.memory_space<hbm>> -> memref<80xi32, #tpu.memory_space<hbm>>
          %dma_wait3A_185 = tpu.memref_slice %arg6[%add3A_181] : memref<320000xi32, #tpu.memory_space<hbm>> -> memref<80xi32, #tpu.memory_space<hbm>>
          tpu.wait_dma2 semaphore(%arg23 : memref<!tpu.dma_semaphore, #tpu.memory_space<semaphore_mem>>) src(%dma_wait3A_185 : memref<80xi32, #tpu.memory_space<hbm>>) dst(%arg11 : memref<80xi32, #tpu.memory_space<vmem>>)
          %add3A_186 = arith.constant 1 : i32
          %add3A_187 = arith.addi %scan3A_67, %add3A_186 : i32
          %mul3A_188 = arith.constant 80 : i32
          %mul3A_189 = arith.muli %add3A_187, %mul3A_188 : i32
          %add3A_190 = arith.addi %mul3A_27, %mul3A_189 : i32
          %dma_start3A_191 = arith.constant 0 : i32
          %dma_start3A_192 = arith.constant 0 : i32
          %dma_start3A_193 = tpu.memref_slice %arg2[%dma_start3A_191, %dma_start3A_192] : memref<10000x144xf32, #tpu.memory_space<hbm>> -> memref<10000x144xf32, #tpu.memory_space<hbm>>
          tpu.enqueue_indirect_dma source(%dma_start3A_193 : memref<10000x144xf32, #tpu.memory_space<hbm>>) target(%arg15 : memref<80x144xf32, #tpu.memory_space<vmem>>) offsets(%arg9 : memref<80xi32, #tpu.memory_space<vmem>>) semaphore(%arg21 : memref<!tpu.dma_semaphore, #tpu.memory_space<semaphore_mem>>)
          %dma_start3A_194 = arith.constant 0 : i32
          %dma_start3A_195 = arith.constant 0 : i32
          %dma_start3A_196 = tpu.memref_slice %arg3[%dma_start3A_194, %dma_start3A_195] : memref<10000x16xf32, #tpu.memory_space<hbm>> -> memref<10000x16xf32, #tpu.memory_space<hbm>>
          tpu.enqueue_indirect_dma source(%dma_start3A_196 : memref<10000x16xf32, #tpu.memory_space<hbm>>) target(%arg17 : memref<80x16xf32, #tpu.memory_space<vmem>>) offsets(%arg11 : memref<80xi32, #tpu.memory_space<vmem>>) semaphore(%arg21 : memref<!tpu.dma_semaphore, #tpu.memory_space<semaphore_mem>>)
          %dma_start3A_197 = arith.constant 0 : i32
          %dma_start3A_198 = tpu.memref_slice %arg4[%add3A_190, %dma_start3A_197] : memref<320000x16xf32, #tpu.memory_space<hbm>> -> memref<80x16xf32, #tpu.memory_space<hbm>>
          %dma_start3A_199 = arith.constant 0 : i32
          %dma_start3A_200 = tpu.memref_slice %arg4[%add3A_190, %dma_start3A_199] : memref<320000x16xf32, #tpu.memory_space<hbm>> -> memref<80x16xf32, #tpu.memory_space<hbm>>
          tpu.enqueue_dma source(%dma_start3A_200 : memref<80x16xf32, #tpu.memory_space<hbm>>) target(%arg19 : memref<80x16xf32, #tpu.memory_space<vmem>>) target_semaphore(%arg21 : memref<!tpu.dma_semaphore, #tpu.memory_space<semaphore_mem>>)
        } else {
        }
        %get3A = arith.constant 0 : index
        %get3A_127 = tpu.vector_load %arg10[%get3A] {strides = array<i32>} : memref<80xi32, #tpu.memory_space<vmem>>, vector<16xi32>,
        %get3A_128 = vector.shape_cast %get3A_127 : vector<16xi32> to vector<16xi32>
        %swap3A = arith.constant 0 : index
        %swap3A_129 = tpu.vector_load %arg12[%swap3A] {strides = array<i32>} : memref<80xi32, #tpu.memory_space<vmem>>, vector<16xi32>,
        %swap3A_130 = vector.shape_cast %swap3A_129 : vector<16xi32> to vector<16xi32>
        %swap3A_131 = vector.shape_cast %get3A_128 : vector<16xi32> to vector<16xi32>
        tpu.vector_store %arg12[%swap3A], %swap3A_131 {strides = array<i32>} : memref<80xi32, #tpu.memory_space<vmem>>, vector<16xi32>,
        %get3A_132 = arith.constant 16 : index
        %get3A_133 = tpu.vector_load %arg10[%get3A_132] {strides = array<i32>} : memref<80xi32, #tpu.memory_space<vmem>>, vector<16xi32>,
        %get3A_134 = vector.shape_cast %get3A_133 : vector<16xi32> to vector<16xi32>
        %swap3A_135 = arith.constant 16 : index
        %swap3A_136 = tpu.vector_load %arg12[%swap3A_135] {strides = array<i32>} : memref<80xi32, #tpu.memory_space<vmem>>, vector<16xi32>,
        %swap3A_137 = vector.shape_cast %swap3A_136 : vector<16xi32> to vector<16xi32>
        %swap3A_138 = vector.shape_cast %get3A_134 : vector<16xi32> to vector<16xi32>
        tpu.vector_store %arg12[%swap3A_135], %swap3A_138 {strides = array<i32>} : memref<80xi32, #tpu.memory_space<vmem>>, vector<16xi32>,
        %get3A_139 = arith.constant 32 : index
        %get3A_140 = tpu.vector_load %arg10[%get3A_139] {strides = array<i32>} : memref<80xi32, #tpu.memory_space<vmem>>, vector<16xi32>,
        %get3A_141 = vector.shape_cast %get3A_140 : vector<16xi32> to vector<16xi32>
        %swap3A_142 = arith.constant 32 : index
        %swap3A_143 = tpu.vector_load %arg12[%swap3A_142] {strides = array<i32>} : memref<80xi32, #tpu.memory_space<vmem>>, vector<16xi32>,
        %swap3A_144 = vector.shape_cast %swap3A_143 : vector<16xi32> to vector<16xi32>
        %swap3A_145 = vector.shape_cast %get3A_141 : vector<16xi32> to vector<16xi32>
        tpu.vector_store %arg12[%swap3A_142], %swap3A_145 {strides = array<i32>} : memref<80xi32, #tpu.memory_space<vmem>>, vector<16xi32>,
        %get3A_146 = arith.constant 48 : index
        %get3A_147 = tpu.vector_load %arg10[%get3A_146] {strides = array<i32>} : memref<80xi32, #tpu.memory_space<vmem>>, vector<16xi32>,
        %get3A_148 = vector.shape_cast %get3A_147 : vector<16xi32> to vector<16xi32>
        %swap3A_149 = arith.constant 48 : index
        %swap3A_150 = tpu.vector_load %arg12[%swap3A_149] {strides = array<i32>} : memref<80xi32, #tpu.memory_space<vmem>>, vector<16xi32>,
        %swap3A_151 = vector.shape_cast %swap3A_150 : vector<16xi32> to vector<16xi32>
        %swap3A_152 = vector.shape_cast %get3A_148 : vector<16xi32> to vector<16xi32>
        tpu.vector_store %arg12[%swap3A_149], %swap3A_152 {strides = array<i32>} : memref<80xi32, #tpu.memory_space<vmem>>, vector<16xi32>,
        %get3A_153 = arith.constant 64 : index
        %get3A_154 = tpu.vector_load %arg10[%get3A_153] {strides = array<i32>} : memref<80xi32, #tpu.memory_space<vmem>>, vector<16xi32>,
        %get3A_155 = vector.shape_cast %get3A_154 : vector<16xi32> to vector<16xi32>
        %swap3A_156 = arith.constant 64 : index
        %swap3A_157 = tpu.vector_load %arg12[%swap3A_156] {strides = array<i32>} : memref<80xi32, #tpu.memory_space<vmem>>, vector<16xi32>,
        %swap3A_158 = vector.shape_cast %swap3A_157 : vector<16xi32> to vector<16xi32>
        %swap3A_159 = vector.shape_cast %get3A_155 : vector<16xi32> to vector<16xi32>
        tpu.vector_store %arg12[%swap3A_156], %swap3A_159 {strides = array<i32>} : memref<80xi32, #tpu.memory_space<vmem>>, vector<16xi32>,
        %add3A_160 = arith.constant 2 : i32
        %add3A_161 = arith.addi %scan3A_67, %add3A_160 : i32
        %lt3A_162 = arith.constant 125 : i32
        %lt3A_163 = arith.cmpi slt, %add3A_161, %lt3A_162 : i32
        %convert_element_type3A_164 = arith.extui %lt3A_163 : i1 to i32
        %cond3A_165 = arith.constant 0 : i32
        %cond3A_166 = arith.cmpi ne, %convert_element_type3A_164, %cond3A_165 : i32
        scf.if %cond3A_166 {
          %add3A_177 = arith.constant 2 : i32
          %add3A_178 = arith.addi %scan3A_67, %add3A_177 : i32
          %mul3A_179 = arith.constant 80 : i32
          %mul3A_180 = arith.muli %add3A_178, %mul3A_179 : i32
          %add3A_181 = arith.addi %mul3A_27, %mul3A_180 : i32
          %dma_start3A_182 = tpu.memref_slice %arg5[%add3A_181] : memref<320000xi32, #tpu.memory_space<hbm>> -> memref<80xi32, #tpu.memory_space<hbm>>
          %dma_start3A_183 = tpu.memref_slice %arg5[%add3A_181] : memref<320000xi32, #tpu.memory_space<hbm>> -> memref<80xi32, #tpu.memory_space<hbm>>
          tpu.enqueue_dma source(%dma_start3A_183 : memref<80xi32, #tpu.memory_space<hbm>>) target(%arg8 : memref<80xi32, #tpu.memory_space<vmem>>) target_semaphore(%arg22 : memref<!tpu.dma_semaphore, #tpu.memory_space<semaphore_mem>>)
          %dma_start3A_184 = tpu.memref_slice %arg6[%add3A_181] : memref<320000xi32, #tpu.memory_space<hbm>> -> memref<80xi32, #tpu.memory_space<hbm>>
          %dma_start3A_185 = tpu.memref_slice %arg6[%add3A_181] : memref<320000xi32, #tpu.memory_space<hbm>> -> memref<80xi32, #tpu.memory_space<hbm>>
          tpu.enqueue_dma source(%dma_start3A_185 : memref<80xi32, #tpu.memory_space<hbm>>) target(%arg10 : memref<80xi32, #tpu.memory_space<vmem>>) target_semaphore(%arg22 : memref<!tpu.dma_semaphore, #tpu.memory_space<semaphore_mem>>)
        } else {
        }
        %scan3A_167 = arith.constant 0 : i32
        %scan3A_168 = arith.constant 0 : i32
        %scan3A_169 = arith.constant 80 : i32
        %scan3A_170 = arith.addi %scan3A_168, %scan3A_169 : i32
        %scan3A_171 = arith.constant 2 : i32
        %scan3A_172 = scf.for %scan3A_177 = %scan3A_168 to %scan3A_170 step %scan3A_171 iter_args(%scan3A_178 = %scan3A_167) -> (i32)  : i32 {
          %get3A_179 = arith.index_cast %scan3A_177 : i32 to index
          %get3A_180 = arith.constant 128 : index
          %get3A_181 = tpu.vector_load %arg14[%get3A_179, %get3A_180] {strides = array<i32>} : memref<80x144xf32, #tpu.memory_space<vmem>>, vector<1x16xf32>,
          %get3A_182 = vector.shape_cast %get3A_181 : vector<1x16xf32> to vector<16xf32>
          %get3A_183 = arith.index_cast %scan3A_177 : i32 to index
          %get3A_184 = arith.constant 0 : index
          %get3A_185 = tpu.vector_load %arg16[%get3A_183, %get3A_184] {strides = array<i32>} : memref<80x16xf32, #tpu.memory_space<vmem>>, vector<1x16xf32>,
          %get3A_186 = vector.shape_cast %get3A_185 : vector<1x16xf32> to vector<16xf32>
          %add3A_187 = arith.addf %get3A_182, %get3A_186 : vector<16xf32>
          %get3A_188 = arith.index_cast %scan3A_177 : i32 to index
          %get3A_189 = arith.constant 0 : index
          %get3A_190 = tpu.vector_load %arg18[%get3A_188, %get3A_189] {strides = array<i32>} : memref<80x16xf32, #tpu.memory_space<vmem>>, vector<1x16xf32>,
          %get3A_191 = vector.shape_cast %get3A_190 : vector<1x16xf32> to vector<16xf32>
          %add3A_192 = arith.addf %add3A_187, %get3A_191 : vector<16xf32>
          %mul3A_193 = arith.constant 0.00999999977 : f32
          %mul3A_194 = vector.broadcast %mul3A_193 : f32 to vector<16xf32>
          %mul3A_195 = arith.mulf %add3A_192, %mul3A_194 : vector<16xf32>
          %max3A = arith.maximumf %add3A_192, %mul3A_195 : vector<16xf32>
          %exp3A = math.exp %max3A : vector<16xf32>
          %swap3A_196 = arith.index_cast %scan3A_177 : i32 to index
          %swap3A_197 = arith.constant 128 : index
          %swap3A_198 = tpu.vector_load %arg14[%swap3A_196, %swap3A_197] {strides = array<i32>} : memref<80x144xf32, #tpu.memory_space<vmem>>, vector<1x16xf32>,
          %swap3A_199 = vector.shape_cast %swap3A_198 : vector<1x16xf32> to vector<16xf32>
          %swap3A_200 = vector.shape_cast %exp3A : vector<16xf32> to vector<1x16xf32>
          tpu.vector_store %arg14[%swap3A_196, %swap3A_197], %swap3A_200 {strides = array<i32>} : memref<80x144xf32, #tpu.memory_space<vmem>>, vector<1x16xf32>,
          %slice3A = vector.extract_strided_slice %exp3A {offsets = [0], sizes = [1], strides = [1]} : vector<16xf32> to vector<1xf32>
          %squeeze3A = vector.extract %slice3A[0] : f32 from vector<1xf32>
          %slice3A_201 = vector.extract_strided_slice %exp3A {offsets = [1], sizes = [1], strides = [1]} : vector<16xf32> to vector<1xf32>
          %squeeze3A_202 = vector.extract %slice3A_201[0] : f32 from vector<1xf32>
          %slice3A_203 = vector.extract_strided_slice %exp3A {offsets = [2], sizes = [1], strides = [1]} : vector<16xf32> to vector<1xf32>
          %squeeze3A_204 = vector.extract %slice3A_203[0] : f32 from vector<1xf32>
          %slice3A_205 = vector.extract_strided_slice %exp3A {offsets = [3], sizes = [1], strides = [1]} : vector<16xf32> to vector<1xf32>
          %squeeze3A_206 = vector.extract %slice3A_205[0] : f32 from vector<1xf32>
          %get3A_207 = arith.index_cast %scan3A_177 : i32 to index
          %get3A_208 = arith.constant 0 : index
          %get3A_209 = tpu.vector_load %arg14[%get3A_207, %get3A_208] {strides = array<i32>} : memref<80x144xf32, #tpu.memory_space<vmem>>, vector<1x16xf32>,
          %get3A_210 = vector.shape_cast %get3A_209 : vector<1x16xf32> to vector<16xf32>
          %mul3A_211 = vector.broadcast %squeeze3A : f32 to vector<16xf32>
          %mul3A_212 = arith.mulf %get3A_210, %mul3A_211 : vector<16xf32>
          %swap3A_213 = arith.index_cast %scan3A_177 : i32 to index
          %swap3A_214 = arith.constant 0 : index
          %swap3A_215 = tpu.vector_load %arg14[%swap3A_213, %swap3A_214] {strides = array<i32>} : memref<80x144xf32, #tpu.memory_space<vmem>>, vector<1x16xf32>,
          %swap3A_216 = vector.shape_cast %swap3A_215 : vector<1x16xf32> to vector<16xf32>
          %swap3A_217 = vector.shape_cast %mul3A_212 : vector<16xf32> to vector<1x16xf32>
          tpu.vector_store %arg14[%swap3A_213, %swap3A_214], %swap3A_217 {strides = array<i32>} : memref<80x144xf32, #tpu.memory_space<vmem>>, vector<1x16xf32>,
          %get3A_218 = arith.index_cast %scan3A_177 : i32 to index
          %get3A_219 = arith.constant 16 : index
          %get3A_220 = tpu.vector_load %arg14[%get3A_218, %get3A_219] {strides = array<i32>} : memref<80x144xf32, #tpu.memory_space<vmem>>, vector<1x16xf32>,
          %get3A_221 = vector.shape_cast %get3A_220 : vector<1x16xf32> to vector<16xf32>
          %mul3A_222 = vector.broadcast %squeeze3A : f32 to vector<16xf32>
          %mul3A_223 = arith.mulf %get3A_221, %mul3A_222 : vector<16xf32>
          %swap3A_224 = arith.index_cast %scan3A_177 : i32 to index
          %swap3A_225 = arith.constant 16 : index
          %swap3A_226 = tpu.vector_load %arg14[%swap3A_224, %swap3A_225] {strides = array<i32>} : memref<80x144xf32, #tpu.memory_space<vmem>>, vector<1x16xf32>,
          %swap3A_227 = vector.shape_cast %swap3A_226 : vector<1x16xf32> to vector<16xf32>
          %swap3A_228 = vector.shape_cast %mul3A_223 : vector<16xf32> to vector<1x16xf32>
          tpu.vector_store %arg14[%swap3A_224, %swap3A_225], %swap3A_228 {strides = array<i32>} : memref<80x144xf32, #tpu.memory_space<vmem>>, vector<1x16xf32>,
          %get3A_229 = arith.index_cast %scan3A_177 : i32 to index
          %get3A_230 = arith.constant 32 : index
          %get3A_231 = tpu.vector_load %arg14[%get3A_229, %get3A_230] {strides = array<i32>} : memref<80x144xf32, #tpu.memory_space<vmem>>, vector<1x16xf32>,
          %get3A_232 = vector.shape_cast %get3A_231 : vector<1x16xf32> to vector<16xf32>
          %mul3A_233 = vector.broadcast %squeeze3A_202 : f32 to vector<16xf32>
          %mul3A_234 = arith.mulf %get3A_232, %mul3A_233 : vector<16xf32>
          %swap3A_235 = arith.index_cast %scan3A_177 : i32 to index
          %swap3A_236 = arith.constant 32 : index
          %swap3A_237 = tpu.vector_load %arg14[%swap3A_235, %swap3A_236] {strides = array<i32>} : memref<80x144xf32, #tpu.memory_space<vmem>>, vector<1x16xf32>,
          %swap3A_238 = vector.shape_cast %swap3A_237 : vector<1x16xf32> to vector<16xf32>
          %swap3A_239 = vector.shape_cast %mul3A_234 : vector<16xf32> to vector<1x16xf32>
          tpu.vector_store %arg14[%swap3A_235, %swap3A_236], %swap3A_239 {strides = array<i32>} : memref<80x144xf32, #tpu.memory_space<vmem>>, vector<1x16xf32>,
          %get3A_240 = arith.index_cast %scan3A_177 : i32 to index
          %get3A_241 = arith.constant 48 : index
          %get3A_242 = tpu.vector_load %arg14[%get3A_240, %get3A_241] {strides = array<i32>} : memref<80x144xf32, #tpu.memory_space<vmem>>, vector<1x16xf32>,
          %get3A_243 = vector.shape_cast %get3A_242 : vector<1x16xf32> to vector<16xf32>
          %mul3A_244 = vector.broadcast %squeeze3A_202 : f32 to vector<16xf32>
          %mul3A_245 = arith.mulf %get3A_243, %mul3A_244 : vector<16xf32>
          %swap3A_246 = arith.index_cast %scan3A_177 : i32 to index
          %swap3A_247 = arith.constant 48 : index
          %swap3A_248 = tpu.vector_load %arg14[%swap3A_246, %swap3A_247] {strides = array<i32>} : memref<80x144xf32, #tpu.memory_space<vmem>>, vector<1x16xf32>,
          %swap3A_249 = vector.shape_cast %swap3A_248 : vector<1x16xf32> to vector<16xf32>
          %swap3A_250 = vector.shape_cast %mul3A_245 : vector<16xf32> to vector<1x16xf32>
          tpu.vector_store %arg14[%swap3A_246, %swap3A_247], %swap3A_250 {strides = array<i32>} : memref<80x144xf32, #tpu.memory_space<vmem>>, vector<1x16xf32>,
          %get3A_251 = arith.index_cast %scan3A_177 : i32 to index
          %get3A_252 = arith.constant 64 : index
          %get3A_253 = tpu.vector_load %arg14[%get3A_251, %get3A_252] {strides = array<i32>} : memref<80x144xf32, #tpu.memory_space<vmem>>, vector<1x16xf32>,
          %get3A_254 = vector.shape_cast %get3A_253 : vector<1x16xf32> to vector<16xf32>
          %mul3A_255 = vector.broadcast %squeeze3A_204 : f32 to vector<16xf32>
          %mul3A_256 = arith.mulf %get3A_254, %mul3A_255 : vector<16xf32>
          %swap3A_257 = arith.index_cast %scan3A_177 : i32 to index
          %swap3A_258 = arith.constant 64 : index
          %swap3A_259 = tpu.vector_load %arg14[%swap3A_257, %swap3A_258] {strides = array<i32>} : memref<80x144xf32, #tpu.memory_space<vmem>>, vector<1x16xf32>,
          %swap3A_260 = vector.shape_cast %swap3A_259 : vector<1x16xf32> to vector<16xf32>
          %swap3A_261 = vector.shape_cast %mul3A_256 : vector<16xf32> to vector<1x16xf32>
          tpu.vector_store %arg14[%swap3A_257, %swap3A_258], %swap3A_261 {strides = array<i32>} : memref<80x144xf32, #tpu.memory_space<vmem>>, vector<1x16xf32>,
          %get3A_262 = arith.index_cast %scan3A_177 : i32 to index
          %get3A_263 = arith.constant 80 : index
          %get3A_264 = tpu.vector_load %arg14[%get3A_262, %get3A_263] {strides = array<i32>} : memref<80x144xf32, #tpu.memory_space<vmem>>, vector<1x16xf32>,
          %get3A_265 = vector.shape_cast %get3A_264 : vector<1x16xf32> to vector<16xf32>
          %mul3A_266 = vector.broadcast %squeeze3A_204 : f32 to vector<16xf32>
          %mul3A_267 = arith.mulf %get3A_265, %mul3A_266 : vector<16xf32>
          %swap3A_268 = arith.index_cast %scan3A_177 : i32 to index
          %swap3A_269 = arith.constant 80 : index
          %swap3A_270 = tpu.vector_load %arg14[%swap3A_268, %swap3A_269] {strides = array<i32>} : memref<80x144xf32, #tpu.memory_space<vmem>>, vector<1x16xf32>,
          %swap3A_271 = vector.shape_cast %swap3A_270 : vector<1x16xf32> to vector<16xf32>
          %swap3A_272 = vector.shape_cast %mul3A_267 : vector<16xf32> to vector<1x16xf32>
          tpu.vector_store %arg14[%swap3A_268, %swap3A_269], %swap3A_272 {strides = array<i32>} : memref<80x144xf32, #tpu.memory_space<vmem>>, vector<1x16xf32>,
          %get3A_273 = arith.index_cast %scan3A_177 : i32 to index
          %get3A_274 = arith.constant 96 : index
          %get3A_275 = tpu.vector_load %arg14[%get3A_273, %get3A_274] {strides = array<i32>} : memref<80x144xf32, #tpu.memory_space<vmem>>, vector<1x16xf32>,
          %get3A_276 = vector.shape_cast %get3A_275 : vector<1x16xf32> to vector<16xf32>
          %mul3A_277 = vector.broadcast %squeeze3A_206 : f32 to vector<16xf32>
          %mul3A_278 = arith.mulf %get3A_276, %mul3A_277 : vector<16xf32>
          %swap3A_279 = arith.index_cast %scan3A_177 : i32 to index
          %swap3A_280 = arith.constant 96 : index
          %swap3A_281 = tpu.vector_load %arg14[%swap3A_279, %swap3A_280] {strides = array<i32>} : memref<80x144xf32, #tpu.memory_space<vmem>>, vector<1x16xf32>,
          %swap3A_282 = vector.shape_cast %swap3A_281 : vector<1x16xf32> to vector<16xf32>
          %swap3A_283 = vector.shape_cast %mul3A_278 : vector<16xf32> to vector<1x16xf32>
          tpu.vector_store %arg14[%swap3A_279, %swap3A_280], %swap3A_283 {strides = array<i32>} : memref<80x144xf32, #tpu.memory_space<vmem>>, vector<1x16xf32>,
          %get3A_284 = arith.index_cast %scan3A_177 : i32 to index
          %get3A_285 = arith.constant 112 : index
          %get3A_286 = tpu.vector_load %arg14[%get3A_284, %get3A_285] {strides = array<i32>} : memref<80x144xf32, #tpu.memory_space<vmem>>, vector<1x16xf32>,
          %get3A_287 = vector.shape_cast %get3A_286 : vector<1x16xf32> to vector<16xf32>
          %mul3A_288 = vector.broadcast %squeeze3A_206 : f32 to vector<16xf32>
          %mul3A_289 = arith.mulf %get3A_287, %mul3A_288 : vector<16xf32>
          %swap3A_290 = arith.index_cast %scan3A_177 : i32 to index
          %swap3A_291 = arith.constant 112 : index
          %swap3A_292 = tpu.vector_load %arg14[%swap3A_290, %swap3A_291] {strides = array<i32>} : memref<80x144xf32, #tpu.memory_space<vmem>>, vector<1x16xf32>,
          %swap3A_293 = vector.shape_cast %swap3A_292 : vector<1x16xf32> to vector<16xf32>
          %swap3A_294 = vector.shape_cast %mul3A_289 : vector<16xf32> to vector<1x16xf32>
          tpu.vector_store %arg14[%swap3A_290, %swap3A_291], %swap3A_294 {strides = array<i32>} : memref<80x144xf32, #tpu.memory_space<vmem>>, vector<1x16xf32>,
          %scan3A_295 = arith.constant 0 : i32
          %scan3A_296 = arith.constant 1 : i32
          %scan3A_297 = arith.addi %scan3A_177, %scan3A_296 : i32
          %get3A_298 = arith.index_cast %scan3A_297 : i32 to index
          %get3A_299 = arith.constant 128 : index
          %get3A_300 = tpu.vector_load %arg14[%get3A_298, %get3A_299] {strides = array<i32>} : memref<80x144xf32, #tpu.memory_space<vmem>>, vector<1x16xf32>,
          %get3A_301 = vector.shape_cast %get3A_300 : vector<1x16xf32> to vector<16xf32>
          %get3A_302 = arith.index_cast %scan3A_297 : i32 to index
          %get3A_303 = arith.constant 0 : index
          %get3A_304 = tpu.vector_load %arg16[%get3A_302, %get3A_303] {strides = array<i32>} : memref<80x16xf32, #tpu.memory_space<vmem>>, vector<1x16xf32>,
          %get3A_305 = vector.shape_cast %get3A_304 : vector<1x16xf32> to vector<16xf32>
          %add3A_306 = arith.addf %get3A_301, %get3A_305 : vector<16xf32>
          %get3A_307 = arith.index_cast %scan3A_297 : i32 to index
          %get3A_308 = arith.constant 0 : index
          %get3A_309 = tpu.vector_load %arg18[%get3A_307, %get3A_308] {strides = array<i32>} : memref<80x16xf32, #tpu.memory_space<vmem>>, vector<1x16xf32>,
          %get3A_310 = vector.shape_cast %get3A_309 : vector<1x16xf32> to vector<16xf32>
          %add3A_311 = arith.addf %add3A_306, %get3A_310 : vector<16xf32>
          %mul3A_312 = arith.constant 0.00999999977 : f32
          %mul3A_313 = vector.broadcast %mul3A_312 : f32 to vector<16xf32>
          %mul3A_314 = arith.mulf %add3A_311, %mul3A_313 : vector<16xf32>
          %max3A_315 = arith.maximumf %add3A_311, %mul3A_314 : vector<16xf32>
          %exp3A_316 = math.exp %max3A_315 : vector<16xf32>
          %swap3A_317 = arith.index_cast %scan3A_297 : i32 to index
          %swap3A_318 = arith.constant 128 : index
          %swap3A_319 = tpu.vector_load %arg14[%swap3A_317, %swap3A_318] {strides = array<i32>} : memref<80x144xf32, #tpu.memory_space<vmem>>, vector<1x16xf32>,
          %swap3A_320 = vector.shape_cast %swap3A_319 : vector<1x16xf32> to vector<16xf32>
          %swap3A_321 = vector.shape_cast %exp3A_316 : vector<16xf32> to vector<1x16xf32>
          tpu.vector_store %arg14[%swap3A_317, %swap3A_318], %swap3A_321 {strides = array<i32>} : memref<80x144xf32, #tpu.memory_space<vmem>>, vector<1x16xf32>,
          %slice3A_322 = vector.extract_strided_slice %exp3A_316 {offsets = [0], sizes = [1], strides = [1]} : vector<16xf32> to vector<1xf32>
          %squeeze3A_323 = vector.extract %slice3A_322[0] : f32 from vector<1xf32>
          %slice3A_324 = vector.extract_strided_slice %exp3A_316 {offsets = [1], sizes = [1], strides = [1]} : vector<16xf32> to vector<1xf32>
          %squeeze3A_325 = vector.extract %slice3A_324[0] : f32 from vector<1xf32>
          %slice3A_326 = vector.extract_strided_slice %exp3A_316 {offsets = [2], sizes = [1], strides = [1]} : vector<16xf32> to vector<1xf32>
          %squeeze3A_327 = vector.extract %slice3A_326[0] : f32 from vector<1xf32>
          %slice3A_328 = vector.extract_strided_slice %exp3A_316 {offsets = [3], sizes = [1], strides = [1]} : vector<16xf32> to vector<1xf32>
          %squeeze3A_329 = vector.extract %slice3A_328[0] : f32 from vector<1xf32>
          %get3A_330 = arith.index_cast %scan3A_297 : i32 to index
          %get3A_331 = arith.constant 0 : index
          %get3A_332 = tpu.vector_load %arg14[%get3A_330, %get3A_331] {strides = array<i32>} : memref<80x144xf32, #tpu.memory_space<vmem>>, vector<1x16xf32>,
          %get3A_333 = vector.shape_cast %get3A_332 : vector<1x16xf32> to vector<16xf32>
          %mul3A_334 = vector.broadcast %squeeze3A_323 : f32 to vector<16xf32>
          %mul3A_335 = arith.mulf %get3A_333, %mul3A_334 : vector<16xf32>
          %swap3A_336 = arith.index_cast %scan3A_297 : i32 to index
          %swap3A_337 = arith.constant 0 : index
          %swap3A_338 = tpu.vector_load %arg14[%swap3A_336, %swap3A_337] {strides = array<i32>} : memref<80x144xf32, #tpu.memory_space<vmem>>, vector<1x16xf32>,
          %swap3A_339 = vector.shape_cast %swap3A_338 : vector<1x16xf32> to vector<16xf32>
          %swap3A_340 = vector.shape_cast %mul3A_335 : vector<16xf32> to vector<1x16xf32>
          tpu.vector_store %arg14[%swap3A_336, %swap3A_337], %swap3A_340 {strides = array<i32>} : memref<80x144xf32, #tpu.memory_space<vmem>>, vector<1x16xf32>,
          %get3A_341 = arith.index_cast %scan3A_297 : i32 to index
          %get3A_342 = arith.constant 16 : index
          %get3A_343 = tpu.vector_load %arg14[%get3A_341, %get3A_342] {strides = array<i32>} : memref<80x144xf32, #tpu.memory_space<vmem>>, vector<1x16xf32>,
          %get3A_344 = vector.shape_cast %get3A_343 : vector<1x16xf32> to vector<16xf32>
          %mul3A_345 = vector.broadcast %squeeze3A_323 : f32 to vector<16xf32>
          %mul3A_346 = arith.mulf %get3A_344, %mul3A_345 : vector<16xf32>
          %swap3A_347 = arith.index_cast %scan3A_297 : i32 to index
          %swap3A_348 = arith.constant 16 : index
          %swap3A_349 = tpu.vector_load %arg14[%swap3A_347, %swap3A_348] {strides = array<i32>} : memref<80x144xf32, #tpu.memory_space<vmem>>, vector<1x16xf32>,
          %swap3A_350 = vector.shape_cast %swap3A_349 : vector<1x16xf32> to vector<16xf32>
          %swap3A_351 = vector.shape_cast %mul3A_346 : vector<16xf32> to vector<1x16xf32>
          tpu.vector_store %arg14[%swap3A_347, %swap3A_348], %swap3A_351 {strides = array<i32>} : memref<80x144xf32, #tpu.memory_space<vmem>>, vector<1x16xf32>,
          %get3A_352 = arith.index_cast %scan3A_297 : i32 to index
          %get3A_353 = arith.constant 32 : index
          %get3A_354 = tpu.vector_load %arg14[%get3A_352, %get3A_353] {strides = array<i32>} : memref<80x144xf32, #tpu.memory_space<vmem>>, vector<1x16xf32>,
          %get3A_355 = vector.shape_cast %get3A_354 : vector<1x16xf32> to vector<16xf32>
          %mul3A_356 = vector.broadcast %squeeze3A_325 : f32 to vector<16xf32>
          %mul3A_357 = arith.mulf %get3A_355, %mul3A_356 : vector<16xf32>
          %swap3A_358 = arith.index_cast %scan3A_297 : i32 to index
          %swap3A_359 = arith.constant 32 : index
          %swap3A_360 = tpu.vector_load %arg14[%swap3A_358, %swap3A_359] {strides = array<i32>} : memref<80x144xf32, #tpu.memory_space<vmem>>, vector<1x16xf32>,
          %swap3A_361 = vector.shape_cast %swap3A_360 : vector<1x16xf32> to vector<16xf32>
          %swap3A_362 = vector.shape_cast %mul3A_357 : vector<16xf32> to vector<1x16xf32>
          tpu.vector_store %arg14[%swap3A_358, %swap3A_359], %swap3A_362 {strides = array<i32>} : memref<80x144xf32, #tpu.memory_space<vmem>>, vector<1x16xf32>,
          %get3A_363 = arith.index_cast %scan3A_297 : i32 to index
          %get3A_364 = arith.constant 48 : index
          %get3A_365 = tpu.vector_load %arg14[%get3A_363, %get3A_364] {strides = array<i32>} : memref<80x144xf32, #tpu.memory_space<vmem>>, vector<1x16xf32>,
          %get3A_366 = vector.shape_cast %get3A_365 : vector<1x16xf32> to vector<16xf32>
          %mul3A_367 = vector.broadcast %squeeze3A_325 : f32 to vector<16xf32>
          %mul3A_368 = arith.mulf %get3A_366, %mul3A_367 : vector<16xf32>
          %swap3A_369 = arith.index_cast %scan3A_297 : i32 to index
          %swap3A_370 = arith.constant 48 : index
          %swap3A_371 = tpu.vector_load %arg14[%swap3A_369, %swap3A_370] {strides = array<i32>} : memref<80x144xf32, #tpu.memory_space<vmem>>, vector<1x16xf32>,
          %swap3A_372 = vector.shape_cast %swap3A_371 : vector<1x16xf32> to vector<16xf32>
          %swap3A_373 = vector.shape_cast %mul3A_368 : vector<16xf32> to vector<1x16xf32>
          tpu.vector_store %arg14[%swap3A_369, %swap3A_370], %swap3A_373 {strides = array<i32>} : memref<80x144xf32, #tpu.memory_space<vmem>>, vector<1x16xf32>,
          %get3A_374 = arith.index_cast %scan3A_297 : i32 to index
          %get3A_375 = arith.constant 64 : index
          %get3A_376 = tpu.vector_load %arg14[%get3A_374, %get3A_375] {strides = array<i32>} : memref<80x144xf32, #tpu.memory_space<vmem>>, vector<1x16xf32>,
          %get3A_377 = vector.shape_cast %get3A_376 : vector<1x16xf32> to vector<16xf32>
          %mul3A_378 = vector.broadcast %squeeze3A_327 : f32 to vector<16xf32>
          %mul3A_379 = arith.mulf %get3A_377, %mul3A_378 : vector<16xf32>
          %swap3A_380 = arith.index_cast %scan3A_297 : i32 to index
          %swap3A_381 = arith.constant 64 : index
          %swap3A_382 = tpu.vector_load %arg14[%swap3A_380, %swap3A_381] {strides = array<i32>} : memref<80x144xf32, #tpu.memory_space<vmem>>, vector<1x16xf32>,
          %swap3A_383 = vector.shape_cast %swap3A_382 : vector<1x16xf32> to vector<16xf32>
          %swap3A_384 = vector.shape_cast %mul3A_379 : vector<16xf32> to vector<1x16xf32>
          tpu.vector_store %arg14[%swap3A_380, %swap3A_381], %swap3A_384 {strides = array<i32>} : memref<80x144xf32, #tpu.memory_space<vmem>>, vector<1x16xf32>,
          %get3A_385 = arith.index_cast %scan3A_297 : i32 to index
          %get3A_386 = arith.constant 80 : index
          %get3A_387 = tpu.vector_load %arg14[%get3A_385, %get3A_386] {strides = array<i32>} : memref<80x144xf32, #tpu.memory_space<vmem>>, vector<1x16xf32>,
          %get3A_388 = vector.shape_cast %get3A_387 : vector<1x16xf32> to vector<16xf32>
          %mul3A_389 = vector.broadcast %squeeze3A_327 : f32 to vector<16xf32>
          %mul3A_390 = arith.mulf %get3A_388, %mul3A_389 : vector<16xf32>
          %swap3A_391 = arith.index_cast %scan3A_297 : i32 to index
          %swap3A_392 = arith.constant 80 : index
          %swap3A_393 = tpu.vector_load %arg14[%swap3A_391, %swap3A_392] {strides = array<i32>} : memref<80x144xf32, #tpu.memory_space<vmem>>, vector<1x16xf32>,
          %swap3A_394 = vector.shape_cast %swap3A_393 : vector<1x16xf32> to vector<16xf32>
          %swap3A_395 = vector.shape_cast %mul3A_390 : vector<16xf32> to vector<1x16xf32>
          tpu.vector_store %arg14[%swap3A_391, %swap3A_392], %swap3A_395 {strides = array<i32>} : memref<80x144xf32, #tpu.memory_space<vmem>>, vector<1x16xf32>,
          %get3A_396 = arith.index_cast %scan3A_297 : i32 to index
          %get3A_397 = arith.constant 96 : index
          %get3A_398 = tpu.vector_load %arg14[%get3A_396, %get3A_397] {strides = array<i32>} : memref<80x144xf32, #tpu.memory_space<vmem>>, vector<1x16xf32>,
          %get3A_399 = vector.shape_cast %get3A_398 : vector<1x16xf32> to vector<16xf32>
          %mul3A_400 = vector.broadcast %squeeze3A_329 : f32 to vector<16xf32>
          %mul3A_401 = arith.mulf %get3A_399, %mul3A_400 : vector<16xf32>
          %swap3A_402 = arith.index_cast %scan3A_297 : i32 to index
          %swap3A_403 = arith.constant 96 : index
          %swap3A_404 = tpu.vector_load %arg14[%swap3A_402, %swap3A_403] {strides = array<i32>} : memref<80x144xf32, #tpu.memory_space<vmem>>, vector<1x16xf32>,
          %swap3A_405 = vector.shape_cast %swap3A_404 : vector<1x16xf32> to vector<16xf32>
          %swap3A_406 = vector.shape_cast %mul3A_401 : vector<16xf32> to vector<1x16xf32>
          tpu.vector_store %arg14[%swap3A_402, %swap3A_403], %swap3A_406 {strides = array<i32>} : memref<80x144xf32, #tpu.memory_space<vmem>>, vector<1x16xf32>,
          %get3A_407 = arith.index_cast %scan3A_297 : i32 to index
          %get3A_408 = arith.constant 112 : index
          %get3A_409 = tpu.vector_load %arg14[%get3A_407, %get3A_408] {strides = array<i32>} : memref<80x144xf32, #tpu.memory_space<vmem>>, vector<1x16xf32>,
          %get3A_410 = vector.shape_cast %get3A_409 : vector<1x16xf32> to vector<16xf32>
          %mul3A_411 = vector.broadcast %squeeze3A_329 : f32 to vector<16xf32>
          %mul3A_412 = arith.mulf %get3A_410, %mul3A_411 : vector<16xf32>
          %swap3A_413 = arith.index_cast %scan3A_297 : i32 to index
          %swap3A_414 = arith.constant 112 : index
          %swap3A_415 = tpu.vector_load %arg14[%swap3A_413, %swap3A_414] {strides = array<i32>} : memref<80x144xf32, #tpu.memory_space<vmem>>, vector<1x16xf32>,
          %swap3A_416 = vector.shape_cast %swap3A_415 : vector<1x16xf32> to vector<16xf32>
          %swap3A_417 = vector.shape_cast %mul3A_412 : vector<16xf32> to vector<1x16xf32>
          tpu.vector_store %arg14[%swap3A_413, %swap3A_414], %swap3A_417 {strides = array<i32>} : memref<80x144xf32, #tpu.memory_space<vmem>>, vector<1x16xf32>,
          %scan3A_418 = arith.constant 0 : i32
          scf.yield %scan3A_418 : i32
        }
        %scan3A_173 = arith.constant 80 : i32
        %dma_start3A_174 = arith.constant 0 : i32
        %dma_start3A_175 = arith.constant 0 : i32
        %dma_start3A_176 = tpu.memref_slice %arg26[%dma_start3A_174, %dma_start3A_175] : memref<10240x144xf32, #tpu.memory_space<vmem_shared>> -> memref<10240x144xf32, #tpu.memory_space<vmem_shared>>
        tpu.enqueue_indirect_dma source(%arg14 : memref<80x144xf32, #tpu.memory_space<vmem>>) target(%dma_start3A_176 : memref<10240x144xf32, #tpu.memory_space<vmem_shared>>) offsets(%arg12 : memref<80xi32, #tpu.memory_space<vmem>>) semaphore(%arg24 : memref<!tpu.dma_semaphore, #tpu.memory_space<semaphore_mem>>) {add = true}
      } else {
      }
      %jit3A_81 = arith.constant 2 : i32
      %eq3A_82 = arith.constant 0 : i32
      %eq3A_83 = arith.cmpi eq, %jit3A_81, %eq3A_82 : i32
      %jit3A_84 = arith.constant 1 : i32
      %select_n3A_85 = arith.select %eq3A_83, %jit3A_84, %jit3A_81 : i32
      %rem3A_86 = arith.remsi %scan3A_67, %select_n3A_85 : i32
      %ne3A_87 = arith.constant 0 : i32
      %ne3A_88 = arith.cmpi ne, %rem3A_86, %ne3A_87 : i32
      %lt3A_89 = arith.constant 0 : i32
      %lt3A_90 = arith.cmpi slt, %rem3A_86, %lt3A_89 : i32
      %lt3A_91 = arith.constant 0 : i32
      %lt3A_92 = arith.cmpi slt, %select_n3A_85, %lt3A_91 : i32
      %ne3A_93 = arith.xori %lt3A_90, %lt3A_92 : i1
      %and3A_94 = arith.andi %ne3A_93, %ne3A_88 : i1
      %add3A_95 = arith.addi %rem3A_86, %select_n3A_85 : i32
      %select_n3A_96 = arith.select %and3A_94, %add3A_95, %rem3A_86 : i32
      %eq3A_97 = arith.constant 1 : i32
      %eq3A_98 = arith.cmpi eq, %select_n3A_96, %eq3A_97 : i32
      %convert_element_type3A_99 = arith.extui %eq3A_98 : i1 to i32
      %cond3A_100 = arith.constant 0 : i32
      %cond3A_101 = arith.cmpi ne, %convert_element_type3A_99, %cond3A_100 : i32
      scf.if %cond3A_101 {
        %mul3A_103 = arith.constant 80 : i32
        %mul3A_104 = arith.muli %scan3A_67, %mul3A_103 : i32
        %add3A_105 = arith.addi %mul3A_27, %mul3A_104 : i32
        %dma_wait3A_106 = arith.constant 0 : i32
        %dma_wait3A_107 = arith.constant 0 : i32
        %dma_wait3A_108 = tpu.memref_slice %arg2[%dma_wait3A_106, %dma_wait3A_107] : memref<10000x144xf32, #tpu.memory_space<hbm>> -> memref<10000x144xf32, #tpu.memory_space<hbm>>
        tpu.wait_indirect_dma semaphore(%arg21 : memref<!tpu.dma_semaphore, #tpu.memory_space<semaphore_mem>>) src(%dma_wait3A_108 : memref<10000x144xf32, #tpu.memory_space<hbm>>) dst(%arg15 : memref<80x144xf32, #tpu.memory_space<vmem>>)
        %dma_wait3A_109 = arith.constant 0 : i32
        %dma_wait3A_110 = arith.constant 0 : i32
        %dma_wait3A_111 = tpu.memref_slice %arg3[%dma_wait3A_109, %dma_wait3A_110] : memref<10000x16xf32, #tpu.memory_space<hbm>> -> memref<10000x16xf32, #tpu.memory_space<hbm>>
        tpu.wait_indirect_dma semaphore(%arg21 : memref<!tpu.dma_semaphore, #tpu.memory_space<semaphore_mem>>) src(%dma_wait3A_111 : memref<10000x16xf32, #tpu.memory_space<hbm>>) dst(%arg17 : memref<80x16xf32, #tpu.memory_space<vmem>>)
        %dma_wait3A_112 = arith.constant 0 : i32
        %dma_wait3A_113 = tpu.memref_slice %arg4[%add3A_105, %dma_wait3A_112] : memref<320000x16xf32, #tpu.memory_space<hbm>> -> memref<80x16xf32, #tpu.memory_space<hbm>>
        %dma_wait3A_114 = arith.constant 0 : i32
        %dma_wait3A_115 = tpu.memref_slice %arg4[%add3A_105, %dma_wait3A_114] : memref<320000x16xf32, #tpu.memory_space<hbm>> -> memref<80x16xf32, #tpu.memory_space<hbm>>
        tpu.wait_dma2 semaphore(%arg21 : memref<!tpu.dma_semaphore, #tpu.memory_space<semaphore_mem>>) src(%dma_wait3A_115 : memref<80x16xf32, #tpu.memory_space<hbm>>) dst(%arg19 : memref<80x16xf32, #tpu.memory_space<vmem>>)
        %ge3A = arith.constant 1 : i32
        %ge3A_116 = arith.cmpi sge, %scan3A_67, %ge3A : i32
        %convert_element_type3A_117 = arith.extui %ge3A_116 : i1 to i32
        %cond3A_118 = arith.constant 0 : i32
        %cond3A_119 = arith.cmpi ne, %convert_element_type3A_117, %cond3A_118 : i32
        scf.if %cond3A_119 {
          %dma_wait3A_177 = arith.constant 0 : i32
          %dma_wait3A_178 = arith.constant 0 : i32
          %dma_wait3A_179 = tpu.memref_slice %arg26[%dma_wait3A_177, %dma_wait3A_178] : memref<10240x144xf32, #tpu.memory_space<vmem_shared>> -> memref<10240x144xf32, #tpu.memory_space<vmem_shared>>
          tpu.wait_indirect_dma semaphore(%arg24 : memref<!tpu.dma_semaphore, #tpu.memory_space<semaphore_mem>>) src(%arg14 : memref<80x144xf32, #tpu.memory_space<vmem>>) dst(%dma_wait3A_179 : memref<10240x144xf32, #tpu.memory_space<vmem_shared>>)
        } else {
        }
        %add3A_120 = arith.constant 1 : i32
        %add3A_121 = arith.addi %scan3A_67, %add3A_120 : i32
        %lt3A_122 = arith.constant 125 : i32
        %lt3A_123 = arith.cmpi slt, %add3A_121, %lt3A_122 : i32
        %convert_element_type3A_124 = arith.extui %lt3A_123 : i1 to i32
        %cond3A_125 = arith.constant 0 : i32
        %cond3A_126 = arith.cmpi ne, %convert_element_type3A_124, %cond3A_125 : i32
        scf.if %cond3A_126 {
          %add3A_177 = arith.constant 1 : i32
          %add3A_178 = arith.addi %scan3A_67, %add3A_177 : i32
          %mul3A_179 = arith.constant 80 : i32
          %mul3A_180 = arith.muli %add3A_178, %mul3A_179 : i32
          %add3A_181 = arith.addi %mul3A_27, %mul3A_180 : i32
          %dma_wait3A_182 = tpu.memref_slice %arg5[%add3A_181] : memref<320000xi32, #tpu.memory_space<hbm>> -> memref<80xi32, #tpu.memory_space<hbm>>
          %dma_wait3A_183 = tpu.memref_slice %arg5[%add3A_181] : memref<320000xi32, #tpu.memory_space<hbm>> -> memref<80xi32, #tpu.memory_space<hbm>>
          tpu.wait_dma2 semaphore(%arg22 : memref<!tpu.dma_semaphore, #tpu.memory_space<semaphore_mem>>) src(%dma_wait3A_183 : memref<80xi32, #tpu.memory_space<hbm>>) dst(%arg8 : memref<80xi32, #tpu.memory_space<vmem>>)
          %dma_wait3A_184 = tpu.memref_slice %arg6[%add3A_181] : memref<320000xi32, #tpu.memory_space<hbm>> -> memref<80xi32, #tpu.memory_space<hbm>>
          %dma_wait3A_185 = tpu.memref_slice %arg6[%add3A_181] : memref<320000xi32, #tpu.memory_space<hbm>> -> memref<80xi32, #tpu.memory_space<hbm>>
          tpu.wait_dma2 semaphore(%arg22 : memref<!tpu.dma_semaphore, #tpu.memory_space<semaphore_mem>>) src(%dma_wait3A_185 : memref<80xi32, #tpu.memory_space<hbm>>) dst(%arg10 : memref<80xi32, #tpu.memory_space<vmem>>)
          %add3A_186 = arith.constant 1 : i32
          %add3A_187 = arith.addi %scan3A_67, %add3A_186 : i32
          %mul3A_188 = arith.constant 80 : i32
          %mul3A_189 = arith.muli %add3A_187, %mul3A_188 : i32
          %add3A_190 = arith.addi %mul3A_27, %mul3A_189 : i32
          %dma_start3A_191 = arith.constant 0 : i32
          %dma_start3A_192 = arith.constant 0 : i32
          %dma_start3A_193 = tpu.memref_slice %arg2[%dma_start3A_191, %dma_start3A_192] : memref<10000x144xf32, #tpu.memory_space<hbm>> -> memref<10000x144xf32, #tpu.memory_space<hbm>>
          tpu.enqueue_indirect_dma source(%dma_start3A_193 : memref<10000x144xf32, #tpu.memory_space<hbm>>) target(%arg14 : memref<80x144xf32, #tpu.memory_space<vmem>>) offsets(%arg8 : memref<80xi32, #tpu.memory_space<vmem>>) semaphore(%arg20 : memref<!tpu.dma_semaphore, #tpu.memory_space<semaphore_mem>>)
          %dma_start3A_194 = arith.constant 0 : i32
          %dma_start3A_195 = arith.constant 0 : i32
          %dma_start3A_196 = tpu.memref_slice %arg3[%dma_start3A_194, %dma_start3A_195] : memref<10000x16xf32, #tpu.memory_space<hbm>> -> memref<10000x16xf32, #tpu.memory_space<hbm>>
          tpu.enqueue_indirect_dma source(%dma_start3A_196 : memref<10000x16xf32, #tpu.memory_space<hbm>>) target(%arg16 : memref<80x16xf32, #tpu.memory_space<vmem>>) offsets(%arg10 : memref<80xi32, #tpu.memory_space<vmem>>) semaphore(%arg20 : memref<!tpu.dma_semaphore, #tpu.memory_space<semaphore_mem>>)
          %dma_start3A_197 = arith.constant 0 : i32
          %dma_start3A_198 = tpu.memref_slice %arg4[%add3A_190, %dma_start3A_197] : memref<320000x16xf32, #tpu.memory_space<hbm>> -> memref<80x16xf32, #tpu.memory_space<hbm>>
          %dma_start3A_199 = arith.constant 0 : i32
          %dma_start3A_200 = tpu.memref_slice %arg4[%add3A_190, %dma_start3A_199] : memref<320000x16xf32, #tpu.memory_space<hbm>> -> memref<80x16xf32, #tpu.memory_space<hbm>>
          tpu.enqueue_dma source(%dma_start3A_200 : memref<80x16xf32, #tpu.memory_space<hbm>>) target(%arg18 : memref<80x16xf32, #tpu.memory_space<vmem>>) target_semaphore(%arg20 : memref<!tpu.dma_semaphore, #tpu.memory_space<semaphore_mem>>)
        } else {
        }
        %get3A = arith.constant 0 : index
        %get3A_127 = tpu.vector_load %arg11[%get3A] {strides = array<i32>} : memref<80xi32, #tpu.memory_space<vmem>>, vector<16xi32>,
        %get3A_128 = vector.shape_cast %get3A_127 : vector<16xi32> to vector<16xi32>
        %swap3A = arith.constant 0 : index
        %swap3A_129 = tpu.vector_load %arg13[%swap3A] {strides = array<i32>} : memref<80xi32, #tpu.memory_space<vmem>>, vector<16xi32>,
        %swap3A_130 = vector.shape_cast %swap3A_129 : vector<16xi32> to vector<16xi32>
        %swap3A_131 = vector.shape_cast %get3A_128 : vector<16xi32> to vector<16xi32>
        tpu.vector_store %arg13[%swap3A], %swap3A_131 {strides = array<i32>} : memref<80xi32, #tpu.memory_space<vmem>>, vector<16xi32>,
        %get3A_132 = arith.constant 16 : index
        %get3A_133 = tpu.vector_load %arg11[%get3A_132] {strides = array<i32>} : memref<80xi32, #tpu.memory_space<vmem>>, vector<16xi32>,
        %get3A_134 = vector.shape_cast %get3A_133 : vector<16xi32> to vector<16xi32>
        %swap3A_135 = arith.constant 16 : index
        %swap3A_136 = tpu.vector_load %arg13[%swap3A_135] {strides = array<i32>} : memref<80xi32, #tpu.memory_space<vmem>>, vector<16xi32>,
        %swap3A_137 = vector.shape_cast %swap3A_136 : vector<16xi32> to vector<16xi32>
        %swap3A_138 = vector.shape_cast %get3A_134 : vector<16xi32> to vector<16xi32>
        tpu.vector_store %arg13[%swap3A_135], %swap3A_138 {strides = array<i32>} : memref<80xi32, #tpu.memory_space<vmem>>, vector<16xi32>,
        %get3A_139 = arith.constant 32 : index
        %get3A_140 = tpu.vector_load %arg11[%get3A_139] {strides = array<i32>} : memref<80xi32, #tpu.memory_space<vmem>>, vector<16xi32>,
        %get3A_141 = vector.shape_cast %get3A_140 : vector<16xi32> to vector<16xi32>
        %swap3A_142 = arith.constant 32 : index
        %swap3A_143 = tpu.vector_load %arg13[%swap3A_142] {strides = array<i32>} : memref<80xi32, #tpu.memory_space<vmem>>, vector<16xi32>,
        %swap3A_144 = vector.shape_cast %swap3A_143 : vector<16xi32> to vector<16xi32>
        %swap3A_145 = vector.shape_cast %get3A_141 : vector<16xi32> to vector<16xi32>
        tpu.vector_store %arg13[%swap3A_142], %swap3A_145 {strides = array<i32>} : memref<80xi32, #tpu.memory_space<vmem>>, vector<16xi32>,
        %get3A_146 = arith.constant 48 : index
        %get3A_147 = tpu.vector_load %arg11[%get3A_146] {strides = array<i32>} : memref<80xi32, #tpu.memory_space<vmem>>, vector<16xi32>,
        %get3A_148 = vector.shape_cast %get3A_147 : vector<16xi32> to vector<16xi32>
        %swap3A_149 = arith.constant 48 : index
        %swap3A_150 = tpu.vector_load %arg13[%swap3A_149] {strides = array<i32>} : memref<80xi32, #tpu.memory_space<vmem>>, vector<16xi32>,
        %swap3A_151 = vector.shape_cast %swap3A_150 : vector<16xi32> to vector<16xi32>
        %swap3A_152 = vector.shape_cast %get3A_148 : vector<16xi32> to vector<16xi32>
        tpu.vector_store %arg13[%swap3A_149], %swap3A_152 {strides = array<i32>} : memref<80xi32, #tpu.memory_space<vmem>>, vector<16xi32>,
        %get3A_153 = arith.constant 64 : index
        %get3A_154 = tpu.vector_load %arg11[%get3A_153] {strides = array<i32>} : memref<80xi32, #tpu.memory_space<vmem>>, vector<16xi32>,
        %get3A_155 = vector.shape_cast %get3A_154 : vector<16xi32> to vector<16xi32>
        %swap3A_156 = arith.constant 64 : index
        %swap3A_157 = tpu.vector_load %arg13[%swap3A_156] {strides = array<i32>} : memref<80xi32, #tpu.memory_space<vmem>>, vector<16xi32>,
        %swap3A_158 = vector.shape_cast %swap3A_157 : vector<16xi32> to vector<16xi32>
        %swap3A_159 = vector.shape_cast %get3A_155 : vector<16xi32> to vector<16xi32>
        tpu.vector_store %arg13[%swap3A_156], %swap3A_159 {strides = array<i32>} : memref<80xi32, #tpu.memory_space<vmem>>, vector<16xi32>,
        %add3A_160 = arith.constant 2 : i32
        %add3A_161 = arith.addi %scan3A_67, %add3A_160 : i32
        %lt3A_162 = arith.constant 125 : i32
        %lt3A_163 = arith.cmpi slt, %add3A_161, %lt3A_162 : i32
        %convert_element_type3A_164 = arith.extui %lt3A_163 : i1 to i32
        %cond3A_165 = arith.constant 0 : i32
        %cond3A_166 = arith.cmpi ne, %convert_element_type3A_164, %cond3A_165 : i32
        scf.if %cond3A_166 {
          %add3A_177 = arith.constant 2 : i32
          %add3A_178 = arith.addi %scan3A_67, %add3A_177 : i32
          %mul3A_179 = arith.constant 80 : i32
          %mul3A_180 = arith.muli %add3A_178, %mul3A_179 : i32
          %add3A_181 = arith.addi %mul3A_27, %mul3A_180 : i32
          %dma_start3A_182 = tpu.memref_slice %arg5[%add3A_181] : memref<320000xi32, #tpu.memory_space<hbm>> -> memref<80xi32, #tpu.memory_space<hbm>>
          %dma_start3A_183 = tpu.memref_slice %arg5[%add3A_181] : memref<320000xi32, #tpu.memory_space<hbm>> -> memref<80xi32, #tpu.memory_space<hbm>>
          tpu.enqueue_dma source(%dma_start3A_183 : memref<80xi32, #tpu.memory_space<hbm>>) target(%arg9 : memref<80xi32, #tpu.memory_space<vmem>>) target_semaphore(%arg23 : memref<!tpu.dma_semaphore, #tpu.memory_space<semaphore_mem>>)
          %dma_start3A_184 = tpu.memref_slice %arg6[%add3A_181] : memref<320000xi32, #tpu.memory_space<hbm>> -> memref<80xi32, #tpu.memory_space<hbm>>
          %dma_start3A_185 = tpu.memref_slice %arg6[%add3A_181] : memref<320000xi32, #tpu.memory_space<hbm>> -> memref<80xi32, #tpu.memory_space<hbm>>
          tpu.enqueue_dma source(%dma_start3A_185 : memref<80xi32, #tpu.memory_space<hbm>>) target(%arg11 : memref<80xi32, #tpu.memory_space<vmem>>) target_semaphore(%arg23 : memref<!tpu.dma_semaphore, #tpu.memory_space<semaphore_mem>>)
        } else {
        }
        %scan3A_167 = arith.constant 0 : i32
        %scan3A_168 = arith.constant 0 : i32
        %scan3A_169 = arith.constant 80 : i32
        %scan3A_170 = arith.addi %scan3A_168, %scan3A_169 : i32
        %scan3A_171 = arith.constant 2 : i32
        %scan3A_172 = scf.for %scan3A_177 = %scan3A_168 to %scan3A_170 step %scan3A_171 iter_args(%scan3A_178 = %scan3A_167) -> (i32)  : i32 {
          %get3A_179 = arith.index_cast %scan3A_177 : i32 to index
          %get3A_180 = arith.constant 128 : index
          %get3A_181 = tpu.vector_load %arg15[%get3A_179, %get3A_180] {strides = array<i32>} : memref<80x144xf32, #tpu.memory_space<vmem>>, vector<1x16xf32>,
          %get3A_182 = vector.shape_cast %get3A_181 : vector<1x16xf32> to vector<16xf32>
          %get3A_183 = arith.index_cast %scan3A_177 : i32 to index
          %get3A_184 = arith.constant 0 : index
          %get3A_185 = tpu.vector_load %arg17[%get3A_183, %get3A_184] {strides = array<i32>} : memref<80x16xf32, #tpu.memory_space<vmem>>, vector<1x16xf32>,
          %get3A_186 = vector.shape_cast %get3A_185 : vector<1x16xf32> to vector<16xf32>
          %add3A_187 = arith.addf %get3A_182, %get3A_186 : vector<16xf32>
          %get3A_188 = arith.index_cast %scan3A_177 : i32 to index
          %get3A_189 = arith.constant 0 : index
          %get3A_190 = tpu.vector_load %arg19[%get3A_188, %get3A_189] {strides = array<i32>} : memref<80x16xf32, #tpu.memory_space<vmem>>, vector<1x16xf32>,
          %get3A_191 = vector.shape_cast %get3A_190 : vector<1x16xf32> to vector<16xf32>
          %add3A_192 = arith.addf %add3A_187, %get3A_191 : vector<16xf32>
          %mul3A_193 = arith.constant 0.00999999977 : f32
          %mul3A_194 = vector.broadcast %mul3A_193 : f32 to vector<16xf32>
          %mul3A_195 = arith.mulf %add3A_192, %mul3A_194 : vector<16xf32>
          %max3A = arith.maximumf %add3A_192, %mul3A_195 : vector<16xf32>
          %exp3A = math.exp %max3A : vector<16xf32>
          %swap3A_196 = arith.index_cast %scan3A_177 : i32 to index
          %swap3A_197 = arith.constant 128 : index
          %swap3A_198 = tpu.vector_load %arg15[%swap3A_196, %swap3A_197] {strides = array<i32>} : memref<80x144xf32, #tpu.memory_space<vmem>>, vector<1x16xf32>,
          %swap3A_199 = vector.shape_cast %swap3A_198 : vector<1x16xf32> to vector<16xf32>
          %swap3A_200 = vector.shape_cast %exp3A : vector<16xf32> to vector<1x16xf32>
          tpu.vector_store %arg15[%swap3A_196, %swap3A_197], %swap3A_200 {strides = array<i32>} : memref<80x144xf32, #tpu.memory_space<vmem>>, vector<1x16xf32>,
          %slice3A = vector.extract_strided_slice %exp3A {offsets = [0], sizes = [1], strides = [1]} : vector<16xf32> to vector<1xf32>
          %squeeze3A = vector.extract %slice3A[0] : f32 from vector<1xf32>
          %slice3A_201 = vector.extract_strided_slice %exp3A {offsets = [1], sizes = [1], strides = [1]} : vector<16xf32> to vector<1xf32>
          %squeeze3A_202 = vector.extract %slice3A_201[0] : f32 from vector<1xf32>
          %slice3A_203 = vector.extract_strided_slice %exp3A {offsets = [2], sizes = [1], strides = [1]} : vector<16xf32> to vector<1xf32>
          %squeeze3A_204 = vector.extract %slice3A_203[0] : f32 from vector<1xf32>
          %slice3A_205 = vector.extract_strided_slice %exp3A {offsets = [3], sizes = [1], strides = [1]} : vector<16xf32> to vector<1xf32>
          %squeeze3A_206 = vector.extract %slice3A_205[0] : f32 from vector<1xf32>
          %get3A_207 = arith.index_cast %scan3A_177 : i32 to index
          %get3A_208 = arith.constant 0 : index
          %get3A_209 = tpu.vector_load %arg15[%get3A_207, %get3A_208] {strides = array<i32>} : memref<80x144xf32, #tpu.memory_space<vmem>>, vector<1x16xf32>,
          %get3A_210 = vector.shape_cast %get3A_209 : vector<1x16xf32> to vector<16xf32>
          %mul3A_211 = vector.broadcast %squeeze3A : f32 to vector<16xf32>
          %mul3A_212 = arith.mulf %get3A_210, %mul3A_211 : vector<16xf32>
          %swap3A_213 = arith.index_cast %scan3A_177 : i32 to index
          %swap3A_214 = arith.constant 0 : index
          %swap3A_215 = tpu.vector_load %arg15[%swap3A_213, %swap3A_214] {strides = array<i32>} : memref<80x144xf32, #tpu.memory_space<vmem>>, vector<1x16xf32>,
          %swap3A_216 = vector.shape_cast %swap3A_215 : vector<1x16xf32> to vector<16xf32>
          %swap3A_217 = vector.shape_cast %mul3A_212 : vector<16xf32> to vector<1x16xf32>
          tpu.vector_store %arg15[%swap3A_213, %swap3A_214], %swap3A_217 {strides = array<i32>} : memref<80x144xf32, #tpu.memory_space<vmem>>, vector<1x16xf32>,
          %get3A_218 = arith.index_cast %scan3A_177 : i32 to index
          %get3A_219 = arith.constant 16 : index
          %get3A_220 = tpu.vector_load %arg15[%get3A_218, %get3A_219] {strides = array<i32>} : memref<80x144xf32, #tpu.memory_space<vmem>>, vector<1x16xf32>,
          %get3A_221 = vector.shape_cast %get3A_220 : vector<1x16xf32> to vector<16xf32>
          %mul3A_222 = vector.broadcast %squeeze3A : f32 to vector<16xf32>
          %mul3A_223 = arith.mulf %get3A_221, %mul3A_222 : vector<16xf32>
          %swap3A_224 = arith.index_cast %scan3A_177 : i32 to index
          %swap3A_225 = arith.constant 16 : index
          %swap3A_226 = tpu.vector_load %arg15[%swap3A_224, %swap3A_225] {strides = array<i32>} : memref<80x144xf32, #tpu.memory_space<vmem>>, vector<1x16xf32>,
          %swap3A_227 = vector.shape_cast %swap3A_226 : vector<1x16xf32> to vector<16xf32>
          %swap3A_228 = vector.shape_cast %mul3A_223 : vector<16xf32> to vector<1x16xf32>
          tpu.vector_store %arg15[%swap3A_224, %swap3A_225], %swap3A_228 {strides = array<i32>} : memref<80x144xf32, #tpu.memory_space<vmem>>, vector<1x16xf32>,
          %get3A_229 = arith.index_cast %scan3A_177 : i32 to index
          %get3A_230 = arith.constant 32 : index
          %get3A_231 = tpu.vector_load %arg15[%get3A_229, %get3A_230] {strides = array<i32>} : memref<80x144xf32, #tpu.memory_space<vmem>>, vector<1x16xf32>,
          %get3A_232 = vector.shape_cast %get3A_231 : vector<1x16xf32> to vector<16xf32>
          %mul3A_233 = vector.broadcast %squeeze3A_202 : f32 to vector<16xf32>
          %mul3A_234 = arith.mulf %get3A_232, %mul3A_233 : vector<16xf32>
          %swap3A_235 = arith.index_cast %scan3A_177 : i32 to index
          %swap3A_236 = arith.constant 32 : index
          %swap3A_237 = tpu.vector_load %arg15[%swap3A_235, %swap3A_236] {strides = array<i32>} : memref<80x144xf32, #tpu.memory_space<vmem>>, vector<1x16xf32>,
          %swap3A_238 = vector.shape_cast %swap3A_237 : vector<1x16xf32> to vector<16xf32>
          %swap3A_239 = vector.shape_cast %mul3A_234 : vector<16xf32> to vector<1x16xf32>
          tpu.vector_store %arg15[%swap3A_235, %swap3A_236], %swap3A_239 {strides = array<i32>} : memref<80x144xf32, #tpu.memory_space<vmem>>, vector<1x16xf32>,
          %get3A_240 = arith.index_cast %scan3A_177 : i32 to index
          %get3A_241 = arith.constant 48 : index
          %get3A_242 = tpu.vector_load %arg15[%get3A_240, %get3A_241] {strides = array<i32>} : memref<80x144xf32, #tpu.memory_space<vmem>>, vector<1x16xf32>,
          %get3A_243 = vector.shape_cast %get3A_242 : vector<1x16xf32> to vector<16xf32>
          %mul3A_244 = vector.broadcast %squeeze3A_202 : f32 to vector<16xf32>
          %mul3A_245 = arith.mulf %get3A_243, %mul3A_244 : vector<16xf32>
          %swap3A_246 = arith.index_cast %scan3A_177 : i32 to index
          %swap3A_247 = arith.constant 48 : index
          %swap3A_248 = tpu.vector_load %arg15[%swap3A_246, %swap3A_247] {strides = array<i32>} : memref<80x144xf32, #tpu.memory_space<vmem>>, vector<1x16xf32>,
          %swap3A_249 = vector.shape_cast %swap3A_248 : vector<1x16xf32> to vector<16xf32>
          %swap3A_250 = vector.shape_cast %mul3A_245 : vector<16xf32> to vector<1x16xf32>
          tpu.vector_store %arg15[%swap3A_246, %swap3A_247], %swap3A_250 {strides = array<i32>} : memref<80x144xf32, #tpu.memory_space<vmem>>, vector<1x16xf32>,
          %get3A_251 = arith.index_cast %scan3A_177 : i32 to index
          %get3A_252 = arith.constant 64 : index
          %get3A_253 = tpu.vector_load %arg15[%get3A_251, %get3A_252] {strides = array<i32>} : memref<80x144xf32, #tpu.memory_space<vmem>>, vector<1x16xf32>,
          %get3A_254 = vector.shape_cast %get3A_253 : vector<1x16xf32> to vector<16xf32>
          %mul3A_255 = vector.broadcast %squeeze3A_204 : f32 to vector<16xf32>
          %mul3A_256 = arith.mulf %get3A_254, %mul3A_255 : vector<16xf32>
          %swap3A_257 = arith.index_cast %scan3A_177 : i32 to index
          %swap3A_258 = arith.constant 64 : index
          %swap3A_259 = tpu.vector_load %arg15[%swap3A_257, %swap3A_258] {strides = array<i32>} : memref<80x144xf32, #tpu.memory_space<vmem>>, vector<1x16xf32>,
          %swap3A_260 = vector.shape_cast %swap3A_259 : vector<1x16xf32> to vector<16xf32>
          %swap3A_261 = vector.shape_cast %mul3A_256 : vector<16xf32> to vector<1x16xf32>
          tpu.vector_store %arg15[%swap3A_257, %swap3A_258], %swap3A_261 {strides = array<i32>} : memref<80x144xf32, #tpu.memory_space<vmem>>, vector<1x16xf32>,
          %get3A_262 = arith.index_cast %scan3A_177 : i32 to index
          %get3A_263 = arith.constant 80 : index
          %get3A_264 = tpu.vector_load %arg15[%get3A_262, %get3A_263] {strides = array<i32>} : memref<80x144xf32, #tpu.memory_space<vmem>>, vector<1x16xf32>,
          %get3A_265 = vector.shape_cast %get3A_264 : vector<1x16xf32> to vector<16xf32>
          %mul3A_266 = vector.broadcast %squeeze3A_204 : f32 to vector<16xf32>
          %mul3A_267 = arith.mulf %get3A_265, %mul3A_266 : vector<16xf32>
          %swap3A_268 = arith.index_cast %scan3A_177 : i32 to index
          %swap3A_269 = arith.constant 80 : index
          %swap3A_270 = tpu.vector_load %arg15[%swap3A_268, %swap3A_269] {strides = array<i32>} : memref<80x144xf32, #tpu.memory_space<vmem>>, vector<1x16xf32>,
          %swap3A_271 = vector.shape_cast %swap3A_270 : vector<1x16xf32> to vector<16xf32>
          %swap3A_272 = vector.shape_cast %mul3A_267 : vector<16xf32> to vector<1x16xf32>
          tpu.vector_store %arg15[%swap3A_268, %swap3A_269], %swap3A_272 {strides = array<i32>} : memref<80x144xf32, #tpu.memory_space<vmem>>, vector<1x16xf32>,
          %get3A_273 = arith.index_cast %scan3A_177 : i32 to index
          %get3A_274 = arith.constant 96 : index
          %get3A_275 = tpu.vector_load %arg15[%get3A_273, %get3A_274] {strides = array<i32>} : memref<80x144xf32, #tpu.memory_space<vmem>>, vector<1x16xf32>,
          %get3A_276 = vector.shape_cast %get3A_275 : vector<1x16xf32> to vector<16xf32>
          %mul3A_277 = vector.broadcast %squeeze3A_206 : f32 to vector<16xf32>
          %mul3A_278 = arith.mulf %get3A_276, %mul3A_277 : vector<16xf32>
          %swap3A_279 = arith.index_cast %scan3A_177 : i32 to index
          %swap3A_280 = arith.constant 96 : index
          %swap3A_281 = tpu.vector_load %arg15[%swap3A_279, %swap3A_280] {strides = array<i32>} : memref<80x144xf32, #tpu.memory_space<vmem>>, vector<1x16xf32>,
          %swap3A_282 = vector.shape_cast %swap3A_281 : vector<1x16xf32> to vector<16xf32>
          %swap3A_283 = vector.shape_cast %mul3A_278 : vector<16xf32> to vector<1x16xf32>
          tpu.vector_store %arg15[%swap3A_279, %swap3A_280], %swap3A_283 {strides = array<i32>} : memref<80x144xf32, #tpu.memory_space<vmem>>, vector<1x16xf32>,
          %get3A_284 = arith.index_cast %scan3A_177 : i32 to index
          %get3A_285 = arith.constant 112 : index
          %get3A_286 = tpu.vector_load %arg15[%get3A_284, %get3A_285] {strides = array<i32>} : memref<80x144xf32, #tpu.memory_space<vmem>>, vector<1x16xf32>,
          %get3A_287 = vector.shape_cast %get3A_286 : vector<1x16xf32> to vector<16xf32>
          %mul3A_288 = vector.broadcast %squeeze3A_206 : f32 to vector<16xf32>
          %mul3A_289 = arith.mulf %get3A_287, %mul3A_288 : vector<16xf32>
          %swap3A_290 = arith.index_cast %scan3A_177 : i32 to index
          %swap3A_291 = arith.constant 112 : index
          %swap3A_292 = tpu.vector_load %arg15[%swap3A_290, %swap3A_291] {strides = array<i32>} : memref<80x144xf32, #tpu.memory_space<vmem>>, vector<1x16xf32>,
          %swap3A_293 = vector.shape_cast %swap3A_292 : vector<1x16xf32> to vector<16xf32>
          %swap3A_294 = vector.shape_cast %mul3A_289 : vector<16xf32> to vector<1x16xf32>
          tpu.vector_store %arg15[%swap3A_290, %swap3A_291], %swap3A_294 {strides = array<i32>} : memref<80x144xf32, #tpu.memory_space<vmem>>, vector<1x16xf32>,
          %scan3A_295 = arith.constant 0 : i32
          %scan3A_296 = arith.constant 1 : i32
          %scan3A_297 = arith.addi %scan3A_177, %scan3A_296 : i32
          %get3A_298 = arith.index_cast %scan3A_297 : i32 to index
          %get3A_299 = arith.constant 128 : index
          %get3A_300 = tpu.vector_load %arg15[%get3A_298, %get3A_299] {strides = array<i32>} : memref<80x144xf32, #tpu.memory_space<vmem>>, vector<1x16xf32>,
          %get3A_301 = vector.shape_cast %get3A_300 : vector<1x16xf32> to vector<16xf32>
          %get3A_302 = arith.index_cast %scan3A_297 : i32 to index
          %get3A_303 = arith.constant 0 : index
          %get3A_304 = tpu.vector_load %arg17[%get3A_302, %get3A_303] {strides = array<i32>} : memref<80x16xf32, #tpu.memory_space<vmem>>, vector<1x16xf32>,
          %get3A_305 = vector.shape_cast %get3A_304 : vector<1x16xf32> to vector<16xf32>
          %add3A_306 = arith.addf %get3A_301, %get3A_305 : vector<16xf32>
          %get3A_307 = arith.index_cast %scan3A_297 : i32 to index
          %get3A_308 = arith.constant 0 : index
          %get3A_309 = tpu.vector_load %arg19[%get3A_307, %get3A_308] {strides = array<i32>} : memref<80x16xf32, #tpu.memory_space<vmem>>, vector<1x16xf32>,
          %get3A_310 = vector.shape_cast %get3A_309 : vector<1x16xf32> to vector<16xf32>
          %add3A_311 = arith.addf %add3A_306, %get3A_310 : vector<16xf32>
          %mul3A_312 = arith.constant 0.00999999977 : f32
          %mul3A_313 = vector.broadcast %mul3A_312 : f32 to vector<16xf32>
          %mul3A_314 = arith.mulf %add3A_311, %mul3A_313 : vector<16xf32>
          %max3A_315 = arith.maximumf %add3A_311, %mul3A_314 : vector<16xf32>
          %exp3A_316 = math.exp %max3A_315 : vector<16xf32>
          %swap3A_317 = arith.index_cast %scan3A_297 : i32 to index
          %swap3A_318 = arith.constant 128 : index
          %swap3A_319 = tpu.vector_load %arg15[%swap3A_317, %swap3A_318] {strides = array<i32>} : memref<80x144xf32, #tpu.memory_space<vmem>>, vector<1x16xf32>,
          %swap3A_320 = vector.shape_cast %swap3A_319 : vector<1x16xf32> to vector<16xf32>
          %swap3A_321 = vector.shape_cast %exp3A_316 : vector<16xf32> to vector<1x16xf32>
          tpu.vector_store %arg15[%swap3A_317, %swap3A_318], %swap3A_321 {strides = array<i32>} : memref<80x144xf32, #tpu.memory_space<vmem>>, vector<1x16xf32>,
          %slice3A_322 = vector.extract_strided_slice %exp3A_316 {offsets = [0], sizes = [1], strides = [1]} : vector<16xf32> to vector<1xf32>
          %squeeze3A_323 = vector.extract %slice3A_322[0] : f32 from vector<1xf32>
          %slice3A_324 = vector.extract_strided_slice %exp3A_316 {offsets = [1], sizes = [1], strides = [1]} : vector<16xf32> to vector<1xf32>
          %squeeze3A_325 = vector.extract %slice3A_324[0] : f32 from vector<1xf32>
          %slice3A_326 = vector.extract_strided_slice %exp3A_316 {offsets = [2], sizes = [1], strides = [1]} : vector<16xf32> to vector<1xf32>
          %squeeze3A_327 = vector.extract %slice3A_326[0] : f32 from vector<1xf32>
          %slice3A_328 = vector.extract_strided_slice %exp3A_316 {offsets = [3], sizes = [1], strides = [1]} : vector<16xf32> to vector<1xf32>
          %squeeze3A_329 = vector.extract %slice3A_328[0] : f32 from vector<1xf32>
          %get3A_330 = arith.index_cast %scan3A_297 : i32 to index
          %get3A_331 = arith.constant 0 : index
          %get3A_332 = tpu.vector_load %arg15[%get3A_330, %get3A_331] {strides = array<i32>} : memref<80x144xf32, #tpu.memory_space<vmem>>, vector<1x16xf32>,
          %get3A_333 = vector.shape_cast %get3A_332 : vector<1x16xf32> to vector<16xf32>
          %mul3A_334 = vector.broadcast %squeeze3A_323 : f32 to vector<16xf32>
          %mul3A_335 = arith.mulf %get3A_333, %mul3A_334 : vector<16xf32>
          %swap3A_336 = arith.index_cast %scan3A_297 : i32 to index
          %swap3A_337 = arith.constant 0 : index
          %swap3A_338 = tpu.vector_load %arg15[%swap3A_336, %swap3A_337] {strides = array<i32>} : memref<80x144xf32, #tpu.memory_space<vmem>>, vector<1x16xf32>,
          %swap3A_339 = vector.shape_cast %swap3A_338 : vector<1x16xf32> to vector<16xf32>
          %swap3A_340 = vector.shape_cast %mul3A_335 : vector<16xf32> to vector<1x16xf32>
          tpu.vector_store %arg15[%swap3A_336, %swap3A_337], %swap3A_340 {strides = array<i32>} : memref<80x144xf32, #tpu.memory_space<vmem>>, vector<1x16xf32>,
          %get3A_341 = arith.index_cast %scan3A_297 : i32 to index
          %get3A_342 = arith.constant 16 : index
          %get3A_343 = tpu.vector_load %arg15[%get3A_341, %get3A_342] {strides = array<i32>} : memref<80x144xf32, #tpu.memory_space<vmem>>, vector<1x16xf32>,
          %get3A_344 = vector.shape_cast %get3A_343 : vector<1x16xf32> to vector<16xf32>
          %mul3A_345 = vector.broadcast %squeeze3A_323 : f32 to vector<16xf32>
          %mul3A_346 = arith.mulf %get3A_344, %mul3A_345 : vector<16xf32>
          %swap3A_347 = arith.index_cast %scan3A_297 : i32 to index
          %swap3A_348 = arith.constant 16 : index
          %swap3A_349 = tpu.vector_load %arg15[%swap3A_347, %swap3A_348] {strides = array<i32>} : memref<80x144xf32, #tpu.memory_space<vmem>>, vector<1x16xf32>,
          %swap3A_350 = vector.shape_cast %swap3A_349 : vector<1x16xf32> to vector<16xf32>
          %swap3A_351 = vector.shape_cast %mul3A_346 : vector<16xf32> to vector<1x16xf32>
          tpu.vector_store %arg15[%swap3A_347, %swap3A_348], %swap3A_351 {strides = array<i32>} : memref<80x144xf32, #tpu.memory_space<vmem>>, vector<1x16xf32>,
          %get3A_352 = arith.index_cast %scan3A_297 : i32 to index
          %get3A_353 = arith.constant 32 : index
          %get3A_354 = tpu.vector_load %arg15[%get3A_352, %get3A_353] {strides = array<i32>} : memref<80x144xf32, #tpu.memory_space<vmem>>, vector<1x16xf32>,
          %get3A_355 = vector.shape_cast %get3A_354 : vector<1x16xf32> to vector<16xf32>
          %mul3A_356 = vector.broadcast %squeeze3A_325 : f32 to vector<16xf32>
          %mul3A_357 = arith.mulf %get3A_355, %mul3A_356 : vector<16xf32>
          %swap3A_358 = arith.index_cast %scan3A_297 : i32 to index
          %swap3A_359 = arith.constant 32 : index
          %swap3A_360 = tpu.vector_load %arg15[%swap3A_358, %swap3A_359] {strides = array<i32>} : memref<80x144xf32, #tpu.memory_space<vmem>>, vector<1x16xf32>,
          %swap3A_361 = vector.shape_cast %swap3A_360 : vector<1x16xf32> to vector<16xf32>
          %swap3A_362 = vector.shape_cast %mul3A_357 : vector<16xf32> to vector<1x16xf32>
          tpu.vector_store %arg15[%swap3A_358, %swap3A_359], %swap3A_362 {strides = array<i32>} : memref<80x144xf32, #tpu.memory_space<vmem>>, vector<1x16xf32>,
          %get3A_363 = arith.index_cast %scan3A_297 : i32 to index
          %get3A_364 = arith.constant 48 : index
          %get3A_365 = tpu.vector_load %arg15[%get3A_363, %get3A_364] {strides = array<i32>} : memref<80x144xf32, #tpu.memory_space<vmem>>, vector<1x16xf32>,
          %get3A_366 = vector.shape_cast %get3A_365 : vector<1x16xf32> to vector<16xf32>
          %mul3A_367 = vector.broadcast %squeeze3A_325 : f32 to vector<16xf32>
          %mul3A_368 = arith.mulf %get3A_366, %mul3A_367 : vector<16xf32>
          %swap3A_369 = arith.index_cast %scan3A_297 : i32 to index
          %swap3A_370 = arith.constant 48 : index
          %swap3A_371 = tpu.vector_load %arg15[%swap3A_369, %swap3A_370] {strides = array<i32>} : memref<80x144xf32, #tpu.memory_space<vmem>>, vector<1x16xf32>,
          %swap3A_372 = vector.shape_cast %swap3A_371 : vector<1x16xf32> to vector<16xf32>
          %swap3A_373 = vector.shape_cast %mul3A_368 : vector<16xf32> to vector<1x16xf32>
          tpu.vector_store %arg15[%swap3A_369, %swap3A_370], %swap3A_373 {strides = array<i32>} : memref<80x144xf32, #tpu.memory_space<vmem>>, vector<1x16xf32>,
          %get3A_374 = arith.index_cast %scan3A_297 : i32 to index
          %get3A_375 = arith.constant 64 : index
          %get3A_376 = tpu.vector_load %arg15[%get3A_374, %get3A_375] {strides = array<i32>} : memref<80x144xf32, #tpu.memory_space<vmem>>, vector<1x16xf32>,
          %get3A_377 = vector.shape_cast %get3A_376 : vector<1x16xf32> to vector<16xf32>
          %mul3A_378 = vector.broadcast %squeeze3A_327 : f32 to vector<16xf32>
          %mul3A_379 = arith.mulf %get3A_377, %mul3A_378 : vector<16xf32>
          %swap3A_380 = arith.index_cast %scan3A_297 : i32 to index
          %swap3A_381 = arith.constant 64 : index
          %swap3A_382 = tpu.vector_load %arg15[%swap3A_380, %swap3A_381] {strides = array<i32>} : memref<80x144xf32, #tpu.memory_space<vmem>>, vector<1x16xf32>,
          %swap3A_383 = vector.shape_cast %swap3A_382 : vector<1x16xf32> to vector<16xf32>
          %swap3A_384 = vector.shape_cast %mul3A_379 : vector<16xf32> to vector<1x16xf32>
          tpu.vector_store %arg15[%swap3A_380, %swap3A_381], %swap3A_384 {strides = array<i32>} : memref<80x144xf32, #tpu.memory_space<vmem>>, vector<1x16xf32>,
          %get3A_385 = arith.index_cast %scan3A_297 : i32 to index
          %get3A_386 = arith.constant 80 : index
          %get3A_387 = tpu.vector_load %arg15[%get3A_385, %get3A_386] {strides = array<i32>} : memref<80x144xf32, #tpu.memory_space<vmem>>, vector<1x16xf32>,
          %get3A_388 = vector.shape_cast %get3A_387 : vector<1x16xf32> to vector<16xf32>
          %mul3A_389 = vector.broadcast %squeeze3A_327 : f32 to vector<16xf32>
          %mul3A_390 = arith.mulf %get3A_388, %mul3A_389 : vector<16xf32>
          %swap3A_391 = arith.index_cast %scan3A_297 : i32 to index
          %swap3A_392 = arith.constant 80 : index
          %swap3A_393 = tpu.vector_load %arg15[%swap3A_391, %swap3A_392] {strides = array<i32>} : memref<80x144xf32, #tpu.memory_space<vmem>>, vector<1x16xf32>,
          %swap3A_394 = vector.shape_cast %swap3A_393 : vector<1x16xf32> to vector<16xf32>
          %swap3A_395 = vector.shape_cast %mul3A_390 : vector<16xf32> to vector<1x16xf32>
          tpu.vector_store %arg15[%swap3A_391, %swap3A_392], %swap3A_395 {strides = array<i32>} : memref<80x144xf32, #tpu.memory_space<vmem>>, vector<1x16xf32>,
          %get3A_396 = arith.index_cast %scan3A_297 : i32 to index
          %get3A_397 = arith.constant 96 : index
          %get3A_398 = tpu.vector_load %arg15[%get3A_396, %get3A_397] {strides = array<i32>} : memref<80x144xf32, #tpu.memory_space<vmem>>, vector<1x16xf32>,
          %get3A_399 = vector.shape_cast %get3A_398 : vector<1x16xf32> to vector<16xf32>
          %mul3A_400 = vector.broadcast %squeeze3A_329 : f32 to vector<16xf32>
          %mul3A_401 = arith.mulf %get3A_399, %mul3A_400 : vector<16xf32>
          %swap3A_402 = arith.index_cast %scan3A_297 : i32 to index
          %swap3A_403 = arith.constant 96 : index
          %swap3A_404 = tpu.vector_load %arg15[%swap3A_402, %swap3A_403] {strides = array<i32>} : memref<80x144xf32, #tpu.memory_space<vmem>>, vector<1x16xf32>,
          %swap3A_405 = vector.shape_cast %swap3A_404 : vector<1x16xf32> to vector<16xf32>
          %swap3A_406 = vector.shape_cast %mul3A_401 : vector<16xf32> to vector<1x16xf32>
          tpu.vector_store %arg15[%swap3A_402, %swap3A_403], %swap3A_406 {strides = array<i32>} : memref<80x144xf32, #tpu.memory_space<vmem>>, vector<1x16xf32>,
          %get3A_407 = arith.index_cast %scan3A_297 : i32 to index
          %get3A_408 = arith.constant 112 : index
          %get3A_409 = tpu.vector_load %arg15[%get3A_407, %get3A_408] {strides = array<i32>} : memref<80x144xf32, #tpu.memory_space<vmem>>, vector<1x16xf32>,
          %get3A_410 = vector.shape_cast %get3A_409 : vector<1x16xf32> to vector<16xf32>
          %mul3A_411 = vector.broadcast %squeeze3A_329 : f32 to vector<16xf32>
          %mul3A_412 = arith.mulf %get3A_410, %mul3A_411 : vector<16xf32>
          %swap3A_413 = arith.index_cast %scan3A_297 : i32 to index
          %swap3A_414 = arith.constant 112 : index
          %swap3A_415 = tpu.vector_load %arg15[%swap3A_413, %swap3A_414] {strides = array<i32>} : memref<80x144xf32, #tpu.memory_space<vmem>>, vector<1x16xf32>,
          %swap3A_416 = vector.shape_cast %swap3A_415 : vector<1x16xf32> to vector<16xf32>
          %swap3A_417 = vector.shape_cast %mul3A_412 : vector<16xf32> to vector<1x16xf32>
          tpu.vector_store %arg15[%swap3A_413, %swap3A_414], %swap3A_417 {strides = array<i32>} : memref<80x144xf32, #tpu.memory_space<vmem>>, vector<1x16xf32>,
          %scan3A_418 = arith.constant 0 : i32
          scf.yield %scan3A_418 : i32
        }
        %scan3A_173 = arith.constant 80 : i32
        %dma_start3A_174 = arith.constant 0 : i32
        %dma_start3A_175 = arith.constant 0 : i32
        %dma_start3A_176 = tpu.memref_slice %arg26[%dma_start3A_174, %dma_start3A_175] : memref<10240x144xf32, #tpu.memory_space<vmem_shared>> -> memref<10240x144xf32, #tpu.memory_space<vmem_shared>>
        tpu.enqueue_indirect_dma source(%arg15 : memref<80x144xf32, #tpu.memory_space<vmem>>) target(%dma_start3A_176 : memref<10240x144xf32, #tpu.memory_space<vmem_shared>>) offsets(%arg13 : memref<80xi32, #tpu.memory_space<vmem>>) semaphore(%arg25 : memref<!tpu.dma_semaphore, #tpu.memory_space<semaphore_mem>>) {add = true}
      } else {
      }
      %scan3A_102 = arith.constant 0 : i32
      scf.yield %scan3A_102 : i32
    }
    %scan3A_62 = arith.constant 125 : i32
    %dma_wait3A_63 = arith.constant 0 : i32
    %dma_wait3A_64 = arith.constant 0 : i32
    %dma_wait3A_65 = tpu.memref_slice %arg26[%dma_wait3A_63, %dma_wait3A_64] : memref<10240x144xf32, #tpu.memory_space<vmem_shared>> -> memref<10240x144xf32, #tpu.memory_space<vmem_shared>>
    tpu.wait_indirect_dma semaphore(%arg24 : memref<!tpu.dma_semaphore, #tpu.memory_space<semaphore_mem>>) src(%arg14 : memref<80x144xf32, #tpu.memory_space<vmem>>) dst(%dma_wait3A_65 : memref<10240x144xf32, #tpu.memory_space<vmem_shared>>)
    %barrier3A_66 = arith.constant 0 : index
    tpu.barrier barrier_id(%barrier3A_66)
    "tpu.region"() ({
      %run_scoped3A = tpu.sem_alloc : memref<!tpu.dma_semaphore, #tpu.memory_space<semaphore_mem>>
      %dma_start3A_67 = arith.constant 0 : i32
      %dma_start3A_68 = tpu.memref_slice %arg7[%arg0, %mul3A_7, %dma_start3A_67] : memref<2x10240x144xf32, #tpu.memory_space<hbm>> -> memref<1x640x144xf32, #tpu.memory_space<hbm>>
      %dma_start3A_69 = tpu.memref_squeeze %dma_start3A_68 : memref<1x640x144xf32, #tpu.memory_space<hbm>> -> memref<640x144xf32, #tpu.memory_space<hbm>>
      %dma_start3A_70 = arith.constant 0 : i32
      %dma_start3A_71 = tpu.memref_slice %arg26[%mul3A_7, %dma_start3A_70] : memref<10240x144xf32, #tpu.memory_space<vmem_shared>> -> memref<640x144xf32, #tpu.memory_space<vmem_shared>>
      tpu.enqueue_dma source(%dma_start3A_71 : memref<640x144xf32, #tpu.memory_space<vmem_shared>>) target(%dma_start3A_69 : memref<640x144xf32, #tpu.memory_space<hbm>>) target_semaphore(%run_scoped3A : memref<!tpu.dma_semaphore, #tpu.memory_space<semaphore_mem>>)
      %dma_wait3A_72 = arith.constant 0 : i32
      %dma_wait3A_73 = tpu.memref_slice %arg7[%arg0, %mul3A_7, %dma_wait3A_72] : memref<2x10240x144xf32, #tpu.memory_space<hbm>> -> memref<1x640x144xf32, #tpu.memory_space<hbm>>
      %dma_wait3A_74 = tpu.memref_squeeze %dma_wait3A_73 : memref<1x640x144xf32, #tpu.memory_space<hbm>> -> memref<640x144xf32, #tpu.memory_space<hbm>>
      %dma_wait3A_75 = arith.constant 0 : i32
      %dma_wait3A_76 = tpu.memref_slice %arg26[%mul3A_7, %dma_wait3A_75] : memref<10240x144xf32, #tpu.memory_space<vmem_shared>> -> memref<640x144xf32, #tpu.memory_space<vmem_shared>>
      tpu.wait_dma2 semaphore(%run_scoped3A : memref<!tpu.dma_semaphore, #tpu.memory_space<semaphore_mem>>) src(%dma_wait3A_76 : memref<640x144xf32, #tpu.memory_space<vmem_shared>>) dst(%dma_wait3A_74 : memref<640x144xf32, #tpu.memory_space<hbm>>)
      tpu.yield
    }) : () -> ()
    return
  }
}

module attributes {stable_mosaic.version = 14 : i64} {
  func.func @_prep_body(%arg0: i32, %arg1: memref<400x128xf32, #tpu.memory_space<vmem>>, %arg2: memref<1600x128xf32, #tpu.memory_space<vmem>>, %arg3: memref<128x128xf32, #tpu.memory_space<vmem>>, %arg4: memref<128x128xf32, #tpu.memory_space<vmem>>, %arg5: memref<1x128xf32, #tpu.memory_space<vmem>>, %arg6: memref<1x128xf32, #tpu.memory_space<vmem>>, %arg7: memref<128x16xf32, #tpu.memory_space<vmem>>, %arg8: memref<400x144xf32, #tpu.memory_space<vmem>>, %arg9: memref<400x16xf32, #tpu.memory_space<vmem>>, %arg10: memref<1600x128xf32, #tpu.memory_space<vmem>>) attributes {dimension_semantics = [#tpu.dimension_semantics<arbitrary>], iteration_bounds = array<i64: 25>, scalar_prefetch = 0 : i64, scratch_operands = 0 : i64, tpu.core_type = #tpu.core_type<tc>, window_params = [{transform_indices = @transform_0, window_bounds = array<i64: 400, 128>}, {transform_indices = @transform_1, window_bounds = array<i64: 1600, 128>}, {pipeline_mode = #tpu.pipeline_mode<synchronous>, transform_indices = @transform_2, window_bounds = array<i64: 128, 128>}, {pipeline_mode = #tpu.pipeline_mode<synchronous>, transform_indices = @transform_3, window_bounds = array<i64: 128, 128>}, {pipeline_mode = #tpu.pipeline_mode<synchronous>, transform_indices = @transform_4, window_bounds = array<i64: 1, 128>}, {pipeline_mode = #tpu.pipeline_mode<synchronous>, transform_indices = @transform_5, window_bounds = array<i64: 1, 128>}, {pipeline_mode = #tpu.pipeline_mode<synchronous>, transform_indices = @transform_6, window_bounds = array<i64: 128, 16>}, {transform_indices = @transform_7, window_bounds = array<i64: 400, 144>}, {transform_indices = @transform_8, window_bounds = array<i64: 400, 16>}, {transform_indices = @transform_9, window_bounds = array<i64: 1600, 128>}]} {
    %get3A = arith.constant 0 : index
    %get3A_0 = arith.constant 0 : index
    %get3A_1 = vector.load %arg7[%get3A, %get3A_0] : memref<128x16xf32, #tpu.memory_space<vmem>>, vector<128x16xf32>
    %get3A_2 = arith.constant 0 : index
    %get3A_3 = arith.constant 0 : index
    %get3A_4 = vector.load %arg1[%get3A_2, %get3A_3] : memref<400x128xf32, #tpu.memory_space<vmem>>, vector<400x128xf32>
    %get3A_5 = arith.constant 0 : index
    %get3A_6 = arith.constant 0 : index
    %get3A_7 = vector.load %arg3[%get3A_5, %get3A_6] : memref<128x128xf32, #tpu.memory_space<vmem>>, vector<128x128xf32>
    %dot_general3A = arith.constant dense<0.000000e+00> : vector<400x128xf32>
    %dot_general3A_8 = tpu.matmul %get3A_4, %get3A_7, %dot_general3A {dimension_numbers = #tpu.dot_dimension_numbers<[1], [1], [0], [0], [0, 0, 1, 0], [], []>, transpose_lhs_hint = false} : vector<400x128xf32>, vector<128x128xf32>, vector<400x128xf32> -> vector<400x128xf32>
    %get3A_9 = arith.constant 0 : index
    %get3A_10 = arith.constant 0 : index
    %get3A_11 = vector.load %arg5[%get3A_9, %get3A_10] : memref<1x128xf32, #tpu.memory_space<vmem>>, vector<1x128xf32>
    %mul3A = vector.broadcast %get3A_11 : vector<1x128xf32> to vector<400x128xf32>
    %mul3A_12 = arith.mulf %dot_general3A_8, %mul3A : vector<400x128xf32>
    %dot_general3A_13 = arith.constant dense<0.000000e+00> : vector<400x16xf32>
    %dot_general3A_14 = tpu.matmul %mul3A_12, %get3A_1, %dot_general3A_13 {dimension_numbers = #tpu.dot_dimension_numbers<[1], [0], [0], [1], [0, 0, 1, 1], [], []>, transpose_lhs_hint = false} : vector<400x128xf32>, vector<128x16xf32>, vector<400x16xf32> -> vector<400x16xf32>
    %swap3A = arith.constant 0 : index
    %swap3A_15 = arith.constant 0 : index
    %swap3A_16 = vector.load %arg8[%swap3A, %swap3A_15] : memref<400x144xf32, #tpu.memory_space<vmem>>, vector<400x128xf32>
    tpu.vector_store %arg8[%swap3A, %swap3A_15], %dot_general3A_8 {strides = array<i32>} : memref<400x144xf32, #tpu.memory_space<vmem>>, vector<400x128xf32>,
    %swap3A_17 = arith.constant 0 : index
    %swap3A_18 = arith.constant 128 : index
    %swap3A_19 = vector.load %arg8[%swap3A_17, %swap3A_18] : memref<400x144xf32, #tpu.memory_space<vmem>>, vector<400x16xf32>
    tpu.vector_store %arg8[%swap3A_17, %swap3A_18], %dot_general3A_14 {strides = array<i32>} : memref<400x144xf32, #tpu.memory_space<vmem>>, vector<400x16xf32>,
    %get3A_20 = arith.constant 0 : index
    %get3A_21 = arith.constant 0 : index
    %get3A_22 = vector.load %arg6[%get3A_20, %get3A_21] : memref<1x128xf32, #tpu.memory_space<vmem>>, vector<1x128xf32>
    %mul3A_23 = vector.broadcast %get3A_22 : vector<1x128xf32> to vector<400x128xf32>
    %mul3A_24 = arith.mulf %dot_general3A_8, %mul3A_23 : vector<400x128xf32>
    %dot_general3A_25 = arith.constant dense<0.000000e+00> : vector<400x16xf32>
    %dot_general3A_26 = tpu.matmul %mul3A_24, %get3A_1, %dot_general3A_25 {dimension_numbers = #tpu.dot_dimension_numbers<[1], [0], [0], [1], [0, 0, 1, 1], [], []>, transpose_lhs_hint = false} : vector<400x128xf32>, vector<128x16xf32>, vector<400x16xf32> -> vector<400x16xf32>
    %swap3A_27 = arith.constant 0 : index
    %swap3A_28 = arith.constant 0 : index
    %swap3A_29 = vector.load %arg9[%swap3A_27, %swap3A_28] : memref<400x16xf32, #tpu.memory_space<vmem>>, vector<400x16xf32>
    tpu.vector_store %arg9[%swap3A_27, %swap3A_28], %dot_general3A_26 {strides = array<i32>} : memref<400x16xf32, #tpu.memory_space<vmem>>, vector<400x16xf32>,
    %get3A_30 = arith.constant 0 : index
    %get3A_31 = arith.constant 0 : index
    %get3A_32 = vector.load %arg2[%get3A_30, %get3A_31] : memref<1600x128xf32, #tpu.memory_space<vmem>>, vector<1600x128xf32>
    %get3A_33 = arith.constant 0 : index
    %get3A_34 = arith.constant 0 : index
    %get3A_35 = vector.load %arg4[%get3A_33, %get3A_34] : memref<128x128xf32, #tpu.memory_space<vmem>>, vector<128x128xf32>
    %dot_general3A_36 = arith.constant dense<0.000000e+00> : vector<1600x128xf32>
    %dot_general3A_37 = tpu.matmul %get3A_32, %get3A_35, %dot_general3A_36 {dimension_numbers = #tpu.dot_dimension_numbers<[1], [0], [0], [1], [0, 0, 1, 1], [], []>, transpose_lhs_hint = false} : vector<1600x128xf32>, vector<128x128xf32>, vector<1600x128xf32> -> vector<1600x128xf32>
    %swap3A_38 = arith.constant 0 : index
    %swap3A_39 = arith.constant 0 : index
    %swap3A_40 = vector.load %arg10[%swap3A_38, %swap3A_39] : memref<1600x128xf32, #tpu.memory_space<vmem>>, vector<1600x128xf32>
    tpu.vector_store %arg10[%swap3A_38, %swap3A_39], %dot_general3A_37 {strides = array<i32>} : memref<1600x128xf32, #tpu.memory_space<vmem>>, vector<1600x128xf32>,
    return
  }
  func.func @transform_0(%arg0: i32) -> (i32, i32) {
    %c0_i32 = arith.constant 0 : i32
    %c0_i32_0 = arith.constant 0 : i32
    return %arg0, %c0_i32 : i32, i32
  }
  func.func @transform_1(%arg0: i32) -> (i32, i32) {
    %c0_i32 = arith.constant 0 : i32
    %c0_i32_0 = arith.constant 0 : i32
    return %arg0, %c0_i32 : i32, i32
  }
  func.func @transform_2(%arg0: i32) -> (i32, i32) {
    %c0_i32 = arith.constant 0 : i32
    %c0_i32_0 = arith.constant 0 : i32
    %c0_i32_1 = arith.constant 0 : i32
    return %c0_i32, %c0_i32_0 : i32, i32
  }
  func.func @transform_3(%arg0: i32) -> (i32, i32) {
    %c0_i32 = arith.constant 0 : i32
    %c0_i32_0 = arith.constant 0 : i32
    %c0_i32_1 = arith.constant 0 : i32
    return %c0_i32, %c0_i32_0 : i32, i32
  }
  func.func @transform_4(%arg0: i32) -> (i32, i32) {
    %c0_i32 = arith.constant 0 : i32
    %c0_i32_0 = arith.constant 0 : i32
    %c0_i32_1 = arith.constant 0 : i32
    return %c0_i32, %c0_i32_0 : i32, i32
  }
  func.func @transform_5(%arg0: i32) -> (i32, i32) {
    %c0_i32 = arith.constant 0 : i32
    %c0_i32_0 = arith.constant 0 : i32
    %c0_i32_1 = arith.constant 0 : i32
    return %c0_i32, %c0_i32_0 : i32, i32
  }
  func.func @transform_6(%arg0: i32) -> (i32, i32) {
    %c0_i32 = arith.constant 0 : i32
    %c0_i32_0 = arith.constant 0 : i32
    %c0_i32_1 = arith.constant 0 : i32
    return %c0_i32, %c0_i32_0 : i32, i32
  }
  func.func @transform_7(%arg0: i32) -> (i32, i32) {
    %c0_i32 = arith.constant 0 : i32
    %c0_i32_0 = arith.constant 0 : i32
    return %arg0, %c0_i32 : i32, i32
  }
  func.func @transform_8(%arg0: i32) -> (i32, i32) {
    %c0_i32 = arith.constant 0 : i32
    %c0_i32_0 = arith.constant 0 : i32
    return %arg0, %c0_i32 : i32, i32
  }
  func.func @transform_9(%arg0: i32) -> (i32, i32) {
    %c0_i32 = arith.constant 0 : i32
    %c0_i32_0 = arith.constant 0 : i32
    return %arg0, %c0_i32 : i32, i32
  }
}

module attributes {stable_mosaic.version = 14 : i64} {
  func.func @_final_body(%arg0: i32, %arg1: memref<2000x144xf32, #tpu.memory_space<vmem>>, %arg2: memref<2000x16xf32, #tpu.memory_space<vmem>>, %arg3: memref<2x2000x144xf32, #tpu.memory_space<vmem>>, %arg4: memref<16x128xf32, #tpu.memory_space<vmem>>, %arg5: memref<1x128xf32, #tpu.memory_space<vmem>>, %arg6: memref<1x128xf32, #tpu.memory_space<vmem>>, %arg7: memref<2000x128xf32, #tpu.memory_space<vmem>>) attributes {dimension_semantics = [#tpu.dimension_semantics<arbitrary>], iteration_bounds = array<i64: 5>, scalar_prefetch = 0 : i64, scratch_operands = 0 : i64, tpu.core_type = #tpu.core_type<tc>, window_params = [{transform_indices = @transform_0, window_bounds = array<i64: 2000, 144>}, {transform_indices = @transform_1, window_bounds = array<i64: 2000, 16>}, {transform_indices = @transform_2, window_bounds = array<i64: 2, 2000, 144>}, {pipeline_mode = #tpu.pipeline_mode<synchronous>, transform_indices = @transform_3, window_bounds = array<i64: 16, 128>}, {pipeline_mode = #tpu.pipeline_mode<synchronous>, transform_indices = @transform_4, window_bounds = array<i64: 1, 128>}, {pipeline_mode = #tpu.pipeline_mode<synchronous>, transform_indices = @transform_5, window_bounds = array<i64: 1, 128>}, {transform_indices = @transform_6, window_bounds = array<i64: 2000, 128>}]} {
    %get3A = arith.constant 0 : index
    %get3A_0 = arith.constant 0 : index
    %get3A_1 = vector.load %arg1[%get3A, %get3A_0] : memref<2000x144xf32, #tpu.memory_space<vmem>>, vector<2000x128xf32>
    %get3A_2 = arith.constant 0 : index
    %get3A_3 = arith.constant 128 : index
    %get3A_4 = vector.load %arg1[%get3A_2, %get3A_3] : memref<2000x144xf32, #tpu.memory_space<vmem>>, vector<2000x16xf32>
    %get3A_5 = arith.constant 0 : index
    %get3A_6 = arith.constant 0 : index
    %get3A_7 = vector.load %arg2[%get3A_5, %get3A_6] : memref<2000x16xf32, #tpu.memory_space<vmem>>, vector<2000x16xf32>
    %add3A = arith.addf %get3A_4, %get3A_7 : vector<2000x16xf32>
    %mul3A = arith.constant 0.00999999977 : f32
    %mul3A_8 = vector.broadcast %mul3A : f32 to vector<2000x16xf32>
    %mul3A_9 = arith.mulf %add3A, %mul3A_8 : vector<2000x16xf32>
    %max3A = arith.maximumf %add3A, %mul3A_9 : vector<2000x16xf32>
    %exp3A = math.exp %max3A : vector<2000x16xf32>
    %get3A_10 = arith.constant 0 : index
    %get3A_11 = arith.constant 0 : index
    %get3A_12 = arith.constant 0 : index
    %get3A_13 = vector.load %arg3[%get3A_10, %get3A_11, %get3A_12] : memref<2x2000x144xf32, #tpu.memory_space<vmem>>, vector<1x2000x144xf32>
    %get3A_14 = vector.shape_cast %get3A_13 : vector<1x2000x144xf32> to vector<2000x144xf32>
    %get3A_15 = arith.constant 1 : index
    %get3A_16 = arith.constant 0 : index
    %get3A_17 = arith.constant 0 : index
    %get3A_18 = vector.load %arg3[%get3A_15, %get3A_16, %get3A_17] : memref<2x2000x144xf32, #tpu.memory_space<vmem>>, vector<1x2000x144xf32>
    %get3A_19 = vector.shape_cast %get3A_18 : vector<1x2000x144xf32> to vector<2000x144xf32>
    %add3A_20 = arith.addf %get3A_14, %get3A_19 : vector<2000x144xf32>
    %slice3A = vector.extract_strided_slice %add3A_20 {offsets = [0, 128], sizes = [2000, 16], strides = [1, 1]} : vector<2000x144xf32> to vector<2000x16xf32>
    %add3A_21 = arith.addf %slice3A, %exp3A : vector<2000x16xf32>
    %get3A_22 = arith.constant 0 : index
    %get3A_23 = arith.constant 0 : index
    %get3A_24 = vector.load %arg4[%get3A_22, %get3A_23] : memref<16x128xf32, #tpu.memory_space<vmem>>, vector<16x128xf32>
    %dot_general3A = arith.constant dense<0.000000e+00> : vector<2000x128xf32>
    %dot_general3A_25 = tpu.matmul %exp3A, %get3A_24, %dot_general3A {dimension_numbers = #tpu.dot_dimension_numbers<[1], [0], [0], [1], [0, 0, 1, 1], [], []>, transpose_lhs_hint = false} : vector<2000x16xf32>, vector<16x128xf32>, vector<2000x128xf32> -> vector<2000x128xf32>
    %dot_general3A_26 = arith.constant dense<0.000000e+00> : vector<2000x128xf32>
    %dot_general3A_27 = tpu.matmul %add3A_21, %get3A_24, %dot_general3A_26 {dimension_numbers = #tpu.dot_dimension_numbers<[1], [0], [0], [1], [0, 0, 1, 1], [], []>, transpose_lhs_hint = false} : vector<2000x16xf32>, vector<16x128xf32>, vector<2000x128xf32> -> vector<2000x128xf32>
    %slice3A_28 = vector.extract_strided_slice %add3A_20 {offsets = [0, 0], sizes = [2000, 128], strides = [1, 1]} : vector<2000x144xf32> to vector<2000x128xf32>
    %mul3A_29 = arith.mulf %dot_general3A_25, %get3A_1 : vector<2000x128xf32>
    %add3A_30 = arith.addf %slice3A_28, %mul3A_29 : vector<2000x128xf32>
    %div3A = arith.divf %add3A_30, %dot_general3A_27 : vector<2000x128xf32>
    %gt3A = arith.constant 0.000000e+00 : f32
    %gt3A_31 = vector.broadcast %gt3A : f32 to vector<2000x128xf32>
    %gt3A_32 = arith.cmpf ogt, %div3A, %gt3A_31 : vector<2000x128xf32>
    %min3A = arith.constant 0.000000e+00 : f32
    %min3A_33 = vector.broadcast %min3A : f32 to vector<2000x128xf32>
    %min3A_34 = arith.minimumf %div3A, %min3A_33 : vector<2000x128xf32>
    %exp3A_35 = math.exp %min3A_34 : vector<2000x128xf32>
    %sub3A = arith.constant 1.000000e+00 : f32
    %sub3A_36 = vector.broadcast %sub3A : f32 to vector<2000x128xf32>
    %sub3A_37 = arith.subf %exp3A_35, %sub3A_36 : vector<2000x128xf32>
    %select_n3A = arith.select %gt3A_32, %div3A, %sub3A_37 : vector<2000x128xi1>, vector<2000x128xf32>
    %reduce_sum3A = arith.constant dense<0.000000e+00> : vector<2000xf32>
    %reduce_sum3A_38 = vector.multi_reduction <add>, %select_n3A, %reduce_sum3A [1] : vector<2000x128xf32> to vector<2000xf32>
    %broadcast_in_dim3A = vector.shape_cast %reduce_sum3A_38 : vector<2000xf32> to vector<2000x1xf32>
    %div3A_39 = arith.constant 1.280000e+02 : f32
    %div3A_40 = vector.broadcast %div3A_39 : f32 to vector<2000x1xf32>
    %div3A_41 = arith.divf %broadcast_in_dim3A, %div3A_40 : vector<2000x1xf32>
    %sub3A_42 = vector.broadcast %div3A_41 : vector<2000x1xf32> to vector<2000x128xf32>
    %sub3A_43 = arith.subf %select_n3A, %sub3A_42 : vector<2000x128xf32>
    %mul3A_44 = arith.mulf %sub3A_43, %sub3A_43 : vector<2000x128xf32>
    %reduce_sum3A_45 = arith.constant dense<0.000000e+00> : vector<2000xf32>
    %reduce_sum3A_46 = vector.multi_reduction <add>, %mul3A_44, %reduce_sum3A_45 [1] : vector<2000x128xf32> to vector<2000xf32>
    %broadcast_in_dim3A_47 = vector.shape_cast %reduce_sum3A_46 : vector<2000xf32> to vector<2000x1xf32>
    %div3A_48 = arith.constant 1.280000e+02 : f32
    %div3A_49 = vector.broadcast %div3A_48 : f32 to vector<2000x1xf32>
    %div3A_50 = arith.divf %broadcast_in_dim3A_47, %div3A_49 : vector<2000x1xf32>
    %add3A_51 = arith.constant 9.99999997E-7 : f32
    %add3A_52 = vector.broadcast %add3A_51 : f32 to vector<2000x1xf32>
    %add3A_53 = arith.addf %div3A_50, %add3A_52 : vector<2000x1xf32>
    %sqrt3A = math.sqrt %add3A_53 : vector<2000x1xf32>
    %div3A_54 = vector.broadcast %sqrt3A : vector<2000x1xf32> to vector<2000x128xf32>
    %div3A_55 = arith.divf %sub3A_43, %div3A_54 : vector<2000x128xf32>
    %get3A_56 = arith.constant 0 : index
    %get3A_57 = arith.constant 0 : index
    %get3A_58 = vector.load %arg5[%get3A_56, %get3A_57] : memref<1x128xf32, #tpu.memory_space<vmem>>, vector<1x128xf32>
    %mul3A_59 = vector.broadcast %get3A_58 : vector<1x128xf32> to vector<2000x128xf32>
    %mul3A_60 = arith.mulf %div3A_55, %mul3A_59 : vector<2000x128xf32>
    %get3A_61 = arith.constant 0 : index
    %get3A_62 = arith.constant 0 : index
    %get3A_63 = vector.load %arg6[%get3A_61, %get3A_62] : memref<1x128xf32, #tpu.memory_space<vmem>>, vector<1x128xf32>
    %add3A_64 = vector.broadcast %get3A_63 : vector<1x128xf32> to vector<2000x128xf32>
    %add3A_65 = arith.addf %mul3A_60, %add3A_64 : vector<2000x128xf32>
    %swap3A = arith.constant 0 : index
    %swap3A_66 = arith.constant 0 : index
    %swap3A_67 = vector.load %arg7[%swap3A, %swap3A_66] : memref<2000x128xf32, #tpu.memory_space<vmem>>, vector<2000x128xf32>
    tpu.vector_store %arg7[%swap3A, %swap3A_66], %add3A_65 {strides = array<i32>} : memref<2000x128xf32, #tpu.memory_space<vmem>>, vector<2000x128xf32>,
    return
  }
  func.func @transform_0(%arg0: i32) -> (i32, i32) {
    %c0_i32 = arith.constant 0 : i32
    %c0_i32_0 = arith.constant 0 : i32
    return %arg0, %c0_i32 : i32, i32
  }
  func.func @transform_1(%arg0: i32) -> (i32, i32) {
    %c0_i32 = arith.constant 0 : i32
    %c0_i32_0 = arith.constant 0 : i32
    return %arg0, %c0_i32 : i32, i32
  }
  func.func @transform_2(%arg0: i32) -> (i32, i32, i32) {
    %c0_i32 = arith.constant 0 : i32
    %c0_i32_0 = arith.constant 0 : i32
    %c0_i32_1 = arith.constant 0 : i32
    return %c0_i32, %arg0, %c0_i32_0 : i32, i32, i32
  }
  func.func @transform_3(%arg0: i32) -> (i32, i32) {
    %c0_i32 = arith.constant 0 : i32
    %c0_i32_0 = arith.constant 0 : i32
    %c0_i32_1 = arith.constant 0 : i32
    return %c0_i32, %c0_i32_0 : i32, i32
  }
  func.func @transform_4(%arg0: i32) -> (i32, i32) {
    %c0_i32 = arith.constant 0 : i32
    %c0_i32_0 = arith.constant 0 : i32
    %c0_i32_1 = arith.constant 0 : i32
    return %c0_i32, %c0_i32_0 : i32, i32
  }
  func.func @transform_5(%arg0: i32) -> (i32, i32) {
    %c0_i32 = arith.constant 0 : i32
    %c0_i32_0 = arith.constant 0 : i32
    %c0_i32_1 = arith.constant 0 : i32
    return %c0_i32, %c0_i32_0 : i32, i32
  }
  func.func @transform_6(%arg0: i32) -> (i32, i32) {
    %c0_i32 = arith.constant 0 : i32
    %c0_i32_0 = arith.constant 0 : i32
    return %arg0, %c0_i32 : i32, i32
  }
}

</mosaic_0001>

<sc_bundles>
// kernel: kernel.5.cloned.1.call-start
scs
__scs_entry_jumppad:
0x0: {  	(pc) =	sbr.rel $0x88, $3  }
0x1: {  	(tag) =	ssettag $0x0;
	lr =	simm.s32 $0x1  }
0x2: {  	[smem:$0x3F98] =	sst lr;
	_ =	strace $0xD0000000  }
0x3: {  	_ = 	snop  }
0x4: {  	_ = 	snop  }
0x5: {  	_ = 	snop  }
0x6: {  	_ = 	snop  }
0x7: {  	_ = 	snop  }
__scs_overlays_trampoline_lowered:
0x8: {  	[smem:$0x3FA7] =	sst s0  }
0x9: {  	[smem:$0x3FA8] =	sst s1  }
0xa: {  	[smem:$0x3FA9] =	sst s2  }
0xb: {  	[smem:$0x3FAA] =	sst s3  }
0xc: {  	[smem:$0x3FAB] =	sst s4  }
0xd: {  	[smem:$0x3FAC] =	sst s5  }
0xe: {  	[smem:$0x3FAD] =	sst s6  }
0xf: {  	[smem:$0x3FAE] =	sst s7  }
0x10: {  	[smem:$0x3FAF] =	sst s8  }
0x11: {  	[smem:$0x3FB0] =	sst s9;
	s0 =	simm.s32 @!p0 $0x0  }
0x12: {  	s1 =	sld [smem:$0x3F96];
	s0 =	simm.s32 @p0 $0x1  }
0x13: {  	[smem:$0x3FB1] =	sst s0;
	s0 =	simm.s32 @!p1 $0x0  }
0x14: {  	s2 =	sld [smem:$0x3F95];
	s0 =	simm.s32 @p1 $0x1  }
0x15: {  	[smem:$0x3FB2] =	sst s0;
	s0 =	simm.s32 @!p2 $0x0  }
0x16: {  	s3 =	sld [smem:$0x3FDB];
	s0 =	simm.s32 @p2 $0x1  }
0x17: {  	s4 =	simm.s32 $0x1BF5;
	[smem:$0x3FB4] =	sst s0  }
0x18: {  	s0 =	sld [smem:$0x3F97];
	_ =	swait.ge [sflag:s4], $0x0  }
0x19: {  	s7 =	sld [smem:$0x3F98]  }
0x1a: {  	s8 =	sadd.s32 $0xFFFFE003, lr  }
0x1b: {  	s9 =	sadd.s32 $0xFFFFFEF7, lr;
	s5 =	simm.s32 $0xFFFFFFFF;
	p2 =	slt.u32 s8, $0xFFFFF086  }
0x1c: {  	p1 =	slt.u32 s9, $0xF7A;
	s5 =	simm.s32 @!p2 $0x0  }
0x1d: {  	s5 =	simm.s32 @p1 $0x1;
	p0 =	seq.s32 s7, s2  }
0x1e: {  	s7 =	smul.u32 @!p0 $0xF7A, s2;
	p2 =	seq.s32 @!p0 s5, $0x0  }
0x1f: {  	s9 =	smul.u32 $0xF7A, s1;
	s8 =	simm.s32 @!p0 $0x1BF5;
	p2 =	por !p2, p0  }
0x20: {  	[sflag:s8] =	ssyncset.s32 @!p0 $0xFFFFF086;
	s6 =	sadd.s32 @!p0 s3, s7;
	s7 =	simm.s32 @!p0 $0x108  }
0x21: {  	s3 =	sadd.s32 s3, s9;
	s6 =	sadd.s32 @!p0 $0x88, s6;
	s7 =	simm.s32 @p2 $0x1082  }
0x22: {  	[simem:s7], [sflag:s8] =	dma.local @!p0 [hbm:s6], $0xF7A  }
0x23: {  	s9 =	sor.u32 $0xD0000000, s2;
	s6 =	simm.s32 $0x108;
	_ =	swait.ge @!p0 [sflag:s8], $0x0  }
0x24: {  	s3 =	sadd.s32 $0x88, s3;
	s6 =	simm.s32 @!p1 $0x1082;
	[sflag:s4] =	ssyncset.s32 $0xFFFFF086  }
0x25: {  	[simem:s6], [sflag:s4] =	dma.local [hbm:s3], $0xF7A  }
0x26: {  	[smem:$0x3F98] =	sst s1;
	(tag) =	ssettag s2;
	_ =	strace s9  }
0x27: {  	s1 =	sld [smem:$0x3FA8]  }
0x28: {  	s2 =	sld [smem:$0x3FA9]  }
0x29: {  	s4 =	sld [smem:$0x3FAB]  }
0x2a: {  	p0 =	seq.s32 s5, $0x0;
	s5 =	sld [smem:$0x3FAC]  }
0x2b: {  	s6 =	sld [smem:$0x3FAD]  }
0x2c: {  	s7 =	sld [smem:$0x3FAE]  }
0x2d: {  	s3 =	simm.s32 $0x108;
	s8 =	sld [smem:$0x3FAF]  }
0x2e: {  	s3 =	simm.s32 @!p0 $0x1082;
	s9 =	sld [smem:$0x3FB0]  }
0x2f: {  	lr =	sadd.s32 s0, s3;
	s0 =	sld [smem:$0x3FA7]  }
0x30: {  	s3 =	sld [smem:$0x3FAA]  }
0x31: {  	[smem:$0x3FB3] =	sst s10  }
0x32: {  	s10 =	sld [smem:$0x3FB1];
	_ =	sdelay $0x3  }
0x33: {  	p0 =	seq.s32 s10, $0x1;
	s10 =	sld [smem:$0x3FB3];
	_ =	sdelay $0x3  }
0x34: {  	[smem:$0x3FB3] =	sst s10  }
0x35: {  	s10 =	sld [smem:$0x3FB2];
	_ =	sdelay $0x3  }
0x36: {  	p1 =	seq.s32 s10, $0x1;
	s10 =	sld [smem:$0x3FB3];
	_ =	sdelay $0x3  }
0x37: {  	[smem:$0x3FB3] =	sst s10  }
0x38: {  	s10 =	sld [smem:$0x3FB4]  }
0x39: {  	_ = 	snop;
	(pc) =	sbr.ind lr, $3  }
0x3a: {  	_ = 	snop  }
0x3b: {  	_ = 	snop  }
0x3c: {  	p2 =	seq.s32 s10, $0x1;
	s10 =	sld [smem:$0x3FB3]  }
0x3d: {  	_ =	shalt  }
0x3e: {  	_ =	shalt  }
0x3f: {  	_ =	shalt  }
0x40: {  	_ =	shalt  }
0x41: {  	_ =	shalt  }
0x42: {  	_ =	shalt  }
0x43: {  	_ =	shalt  }
0x44: {  	_ =	shalt  }
0x45: {  	_ =	shalt  }
0x46: {  	_ =	shalt  }
0x47: {  	_ =	shalt  }
0x48: {  	_ =	shalt  }
0x49: {  	_ =	shalt  }
0x4a: {  	_ =	shalt  }
0x4b: {  	_ =	shalt  }
0x4c: {  	_ =	shalt  }
0x4d: {  	_ =	shalt  }
0x4e: {  	_ =	shalt  }
0x4f: {  	_ =	shalt  }
0x50: {  	_ =	shalt  }
0x51: {  	_ =	shalt  }
0x52: {  	_ =	shalt  }
0x53: {  	_ =	shalt  }
0x54: {  	_ =	shalt  }
0x55: {  	_ =	shalt  }
0x56: {  	_ =	shalt  }
0x57: {  	_ =	shalt  }
0x58: {  	_ =	shalt  }
0x59: {  	_ =	shalt  }
0x5a: {  	_ =	shalt  }
0x5b: {  	_ =	shalt  }
0x5c: {  	_ =	shalt  }
0x5d: {  	_ =	shalt  }
0x5e: {  	_ =	shalt  }
0x5f: {  	_ =	shalt  }
0x60: {  	_ =	shalt  }
0x61: {  	_ =	shalt  }
0x62: {  	_ =	shalt  }
0x63: {  	_ =	shalt  }
0x64: {  	_ =	shalt  }
0x65: {  	_ =	shalt  }
0x66: {  	_ =	shalt  }
0x67: {  	_ =	shalt  }
0x68: {  	_ =	shalt  }
0x69: {  	_ =	shalt  }
0x6a: {  	_ =	shalt  }
0x6b: {  	_ =	shalt  }
0x6c: {  	_ =	shalt  }
0x6d: {  	_ =	shalt  }
0x6e: {  	_ =	shalt  }
0x6f: {  	_ =	shalt  }
0x70: {  	_ =	shalt  }
0x71: {  	_ =	shalt  }
0x72: {  	_ =	shalt  }
0x73: {  	_ =	shalt  }
0x74: {  	_ =	shalt  }
0x75: {  	_ =	shalt  }
0x76: {  	_ =	shalt  }
0x77: {  	_ =	shalt  }
0x78: {  	_ =	shalt  }
0x79: {  	_ =	shalt  }
0x7a: {  	_ =	shalt  }
0x7b: {  	_ =	shalt  }
0x7c: {  	_ =	shalt  }
0x7d: {  	_ =	shalt  }
0x7e: {  	_ =	shalt  }
0x7f: {  	_ =	shalt  }
0x80: {  	_ =	shalt  }
0x81: {  	_ =	shalt  }
0x82: {  	_ =	shalt  }
0x83: {  	_ =	shalt  }
0x84: {  	_ =	shalt  }
0x85: {  	_ =	shalt  }
0x86: {  	_ =	shalt  }
0x87: {  	_ =	shalt  }
.Lfunc_end0:
.L_simem_size_0:
called_computation_lowered:
.L_overlay_start_0:
0x88: {  	s2 =	sld [smem:$0x3FD9]  }
0x89: {  	s3 =	sld [smem:$0x3FFE];
	_ =	sdelay $0x1  }
0x8a: {  	s1 =	srdreg.scid  }
0x8b: {  	s0 =	sand.u32 $0x1, s1  }
0x8c: {  	s17 =	sshll.u32 s0, $0xA;
	s2 =	sadd.s32 s3, s2  }
0x8d: {  	s2 =	sadd.s32 s2, s17  }
0x8e: {  	[smem:$0x3FBF] =	sst s2  }
0x8f: {  	_ = 	snop  }
0x90: {  	s2 =	sld [smem:$0x3FC7]  }
0x91: {  	s18 =	sld [smem:$0x3FC6]  }
0x92: {  	s4 =	sld [smem:$0x3FD0];
	(tm) =	ssettm $0x1  }
0x93: {  	s5 =	sld [smem:$0x3FFB];
	_ =	sdelay $0x3  }
0x94: {  	_ =	strace s5  }
0x95: {  	s5 =	sld [smem:$0x3FFC];
	_ =	sdelay $0x3  }
0x96: {  	_ =	strace s5  }
0x97: {  	s5 =	sld [smem:$0x3FFD];
	_ =	sdelay $0x3  }
0x98: {  	_ =	strace s5  }
0x99: {  	_ =	strace $0x8FFFFFFF  }
0x9a: {  	s19 =	sld [smem:$0x3FDB];
	_ =	sdelay $0x1  }
0x9b: {  	s6 =	simm.s32 $_scs_section_size  }
0x9c: {  	s7 =	simm.s32 $_size__tile_overlayer_lowered;
	s8 =	simm.s32 $_tile_overlayer_lowered  }
0x9d: {  	s22 =	simm.s32 $0x1BFF;
	s21 =	sshll.u32 s8, $0x1;
	s5 =	sadd.s32 s6, s19  }
0x9e: {  	s9 =	simm.s32 $0x0;
	s20 =	sshll.u32 s7, $0x1;
	s7 =	sadd.s32 s21, s5  }
0x9f: {  	[timem:s9], [sflag:s22] =	dma.local [hbm:s7], s20  }
0xa0: {  	_ =	swait.ge [sflag:s22], s20  }
0xa1: {  	s6 =	ssub.s32 $0x0, s20;
	[sflag:s22] =	ssyncset.done $0x0  }
0xa2: {  	[sflag:s22] =	ssyncadd.s32 s6;
	_ =	sdelay $0x1  }
0xa3: {  	s23 =	simm.s32 $0x1B8B  }
0xa4: {  	_ =	swait.ge [sflag:s23], $0x1  }
0xa5: {  	[sflag:s23] =	ssyncset.done $0x0  }
0xa6: {  	s25 =	simm.s32 $0x1B8E;
	s24 =	sld [smem:$0x3FFE];
	[sflag:s23] =	ssyncadd.s32 $0xFFFFFFFF  }
0xa7: {  	s26 =	simm.s32 $execute0_lowered;
	[smem:$0x3FD2] =	sst s25  }
0xa8: {  	s7 =	sshll.u32 s26, $0x1;
	_ =	strace $0x80000046;
	[dreg:$0x1] =	wrdreg $0xFFFFFFFF  }
0xa9: {  	s28 =	simm.s32 $_size_execute0_lowered;
	s5 =	sadd.s32 s5, s7;
	[dreg:$0x0] =	wrdreg $0x0  }
0xaa: {  	s7 =	sshll.u32 s28, $0x1;
	[dreg:$0x2] =	wrdreg s5  }
0xab: {  	[dreg:$0x3] =	wrdreg s7  }
0xac: {  	[dreg:$0x4] =	wrdreg $0xC0  }
0xad: {  	_ =	task [dreg:s9], $0x5FFFF  }
0xae: {  	[dreg:$0x1] =	wrdreg $0xFFFFFFFF  }
0xaf: {  	[dreg:$0x0] =	wrdreg $0x60  }
0xb0: {  	[dreg:$0x2] =	wrdreg s24  }
0xb1: {  	[dreg:$0x3] =	wrdreg s4  }
0xb2: {  	[dreg:$0x4] =	wrdreg s18  }
0xb3: {  	[dreg:$0x5] =	wrdreg s2  }
0xb4: {  	[dreg:$0x6] =	wrdreg $0x6FE00  }
0xb5: {  	[dreg:$0x7] =	wrdreg $0x9  }
0xb6: {  	_ =	task.clear_ibuf [dreg:s9], $0x8FFFF;
	_ =	strace $0x90000046  }
0xb7: {  	s29 =	simm.s32 $0x9;
	_ =	strace $0x80000048  }
0xb8: {  	_ =	swait.ge [sflag:s29], $0x1  }
0xb9: {  	[sflag:s29] =	ssyncadd.s32 $0xFFFFFFFF  }
0xba: {  	_ =	strace $0x90000048  }
0xbb: {  	_ =	sfence  }
0xbc: {  	s30 =	sld [smem:$0x0];
	_ =	sdelay $0x2  }
0xbd: {  	s31 =	sshll.u32 s1, $0xD;
	s1 =	sshrl.u32 s1, $0x2  }
0xbe: {  	s3 =	sand.u32 $0x4000, s31;
	s1 =	sadd.s32 s1, s30  }
0xbf: {  	s0 =	sor.u32 s3, s0;
	s1 =	sshll.u32 s1, $0x11  }
0xc0: {  	s0 =	sor.u32 s1, s0  }
0xc1: {  	s0 =	sadd.s32 $0x8F2B, s0  }
0xc2: {  	[sflag:s0] =	ssyncadd.remote.s32 $0x1  }
0xc3: {  	_ =	sfence.sel $0xFFFF  }
0xc4: {  	[dreg:$0x0] =	wrdreg $0xFFFFFFFF;
	(pc) =	sbr.abs _section_cstart, $3  }
0xc5: {  	[dreg:$0x1] =	wrdreg $0xFFFFFFFF  }
0xc6: {  	_ =	task.clear_ibuf [dreg:s9], $0x2FFFF;
	_ =	strace $0x9FFFFFFF  }
0xc7: {  	(tm) =	ssettm $0x7FFFFFFF  }
tec
execute0_lowered:
.L_overlay_start_1:
0x0: {  	(tag) =	ssettag $0x1  }
0x1: {  	s0 =	rddreg [dreg:$0x0]  }
0x2: {  	s1 =	rddreg [dreg:$0x1]  }
0x3: {  	s2 =	rddreg [dreg:$0x2]  }
0x4: {  	s4 =	rddreg [dreg:$0x3]  }
0x5: {  	s5 =	rddreg [dreg:$0x4];
	s3 =	srdreg.scid  }
0x6: {  	s14 =	stileid.u32;
	s6 =	simm.s32 $0x0;
	s28 =	simm.s32 $0x7  }
0x7: {  	s30 =	simm.s32 $0x50;
	s31 =	simm.s32 $0xF0;
	s9 =	smul.u32 $0x16800, s14  }
0x8: {  	s29 =	simm.s32 $0x6AE0;
	s3 =	sand.u32 $0x1, s3;
	s12 =	smul.u32 $0x5A000, s14  }
0x9: {  	[smem:$0x7FF] =	sst s6;
	s7 =	sadd.s32 $0x9E400, s0;
	s8 =	smul.u32 $0x168000, s3  }
0xa: {  	_ =	strace $0x80000047;
	s11 =	ssub.s32 $0x2, s3;
	s3 =	sshll.u32 s3, $0x4  }
0xb: {  	s13 =	sshrl.u32 s11, $0x1;
	s3 =	sor.u32 s14, s3;
	s14 =	simm.s32 $0x140  }
0xc: {  	s10 =	sadd.s32 s9, s8;
	s8 =	sadd.s32 $0x2000, s0;
	s26 =	ssub.s32 s11, s13  }
0xd: {  	s13 =	sshrl.u32 s12, $0x2;
	s9 =	sadd.s32 s9, s5;
	s19 =	smul.u32 $0x2710, s3  }
0xe: {  	s3 =	smul.u32 $0x4E20, s3;
	s12 =	simm.s32 $0x2EE0;
	s10 =	sshrl.u32 s10, $0x3  }
0xf: {  	[dreg:$0x6] =	wrdreg s9;
	s15 =	sadd.s32 s13, s5;
	s26 =	smax.u32 s26, $0x1  }
0x10: {  	s13 =	simm.s32 $0x1;
	s11 =	sadd.s32 $0x2D00, s15;
	[dreg:$0x14] =	wrdreg s26  }
0x11: {  	s0 =	sadd.s32 s10, s0;
	s16 =	sadd.s32 $0x5A00, s15;
	[dreg:$0x7] =	wrdreg s11  }
0x12: {  	s17 =	sadd.s32 $0x8700, s15;
	s18 =	sadd.s32 $0xB400, s15;
	[dreg:$0x8] =	wrdreg s16  }
0x13: {  	s20 =	sadd.s32 $0xE100, s15;
	s21 =	sadd.s32 $0x10E00, s15;
	[dreg:$0x9] =	wrdreg s17  }
0x14: {  	s9 =	sadd.s32 $0x13B00, s15;
	s22 =	sshrl.u32 s19, $0x3;
	[dreg:$0xa] =	wrdreg s18  }
0x15: {  	s3 =	sadd.s32 s8, s3;
	s26 =	simm.s32 $0x1E0;
	[dreg:$0xb] =	wrdreg s20  }
0x16: {  	s10 =	simm.s32 $0x5;
	s15 =	simm.s32 $0x4;
	[dreg:$0xc] =	wrdreg s21  }
0x17: {  	[dreg:$0xd] =	wrdreg s9;
	s17 =	sadd.s32 $0x50, s19;
	s23 =	sadd.s32 s2, s22  }
0x18: {  	s9 =	sadd.s32 s4, s22;
	[dreg:$0x12] =	wrdreg s3;
	s0 =	sadd.s32 $0xCA400, s0  }
.Ltmp0:
0x19: {  	s3 =	simm.s32 $0x2;
	[dreg:$0xe] =	wrdreg s23;
	(pc) =	sbr.rel .LBB2_1-.Ltmp0, $4  }
0x1a: {  	s11 =	simm.s32 $0x190;
	[dreg:$0xf] =	wrdreg s9;
	s24 =	sshrl.u32 s17, $0x3  }
0x1b: {  	s16 =	simm.s32 $0x60E0;
	[dreg:$0x13] =	wrdreg s0;
	s25 =	sadd.s32 s2, s24  }
0x1c: {  	s18 =	simm.s32 $0x0;
	s9 =	sadd.s32 s4, s24;
	[dreg:$0x10] =	wrdreg s25  }
0x1d: {  	v0 =	vimm.f32 $0.0e+00;
	s23 =	sadd.s32 $0xA0, s19;
	s0 =	simm.s32 $0x3;
	[dreg:$0x11] =	wrdreg s9  }
.LBB2_12:
0x1e: {  	_ =	swait.ge [sflag:s10], $0x2D00  }
0x1f: {  	[sflag:s10] =	ssyncset.done $0x0  }
0x20: {  	[sflag:s10] =	ssyncadd.s32 $0xFFFFD300  }
0x21: {  	s9 =	stileid.u32;
	[bflag:$0x0] =	sbarrier.arrive $0xFFFF  }
0x22: {  	s9 =	sshll.u32 s9, $0x6;
	s19 =	rddreg [dreg:$0x6]  }
0x23: {  	s9 =	sor.u32 $0x1C07, s9;
	s20 =	rddreg [dreg:$0x13];
	s19 =	sshrl.u32 s19, $0x3  }
0x24: {  	[hbm:s20], [sflag:s9] =	dma.local [spmem:s19], $0x2D00  }
0x25: {  	_ =	swait.ge [sflag:s28], $0x2D00  }
0x26: {  	s18 =	sadd.s32 $0x1, s18;
	s25 =	rddreg [dreg:$0x14]  }
0x27: {  	p0 =	sne.s32 s18, s25  }
.Ltmp1:
0x28: {  	_ = 	snop;
	(pc) =	sbr.rel @!p0 .LBB2_13-.Ltmp1, $3  }
0x29: {  	_ =	sdelay $0x1  }
0x2a: {  	[sflag:s28] =	ssyncset.done $0x0  }
0x2b: {  	[sflag:s28] =	ssyncadd.s32 $0xFFFFD300  }
.LBB2_1:
0x2c: {  	s9 =	smul.u32 $0xE38F, s6;
	_ =	sdelay $0x1  }
0x2d: {  	s19 =	sshrl.u32 s9, $0x13  }
0x2e: {  	s20 =	simm.s32 $0x0;
	s9 =	simm.s32 $0x1;
	s21 =	smul.u32 $0x9, s19  }
.LBB2_2:
0x2f: {  	s22 =	smul.u32 $0xE38F, s9  }
0x30: {  	s24 =	smov.u32 s9;
	s19 =	smul.u32 $0x240, s19;
	p0 =	sne.s32 s9, $0x2CF  }
.Ltmp2:
0x31: {  	s20 =	ssub.s32 s20, s21;
	(pc) =	sbr.rel @p0 .LBB2_2-.Ltmp2, $4  }
0x32: {  	s9 =	sadd.s32 $0x1, s9;
	s20 =	sand.u32 $0xFFFF, s20  }
0x33: {  	s21 =	sshrl.u32 s19, $0x2;
	s25 =	sshll.u32 s20, $0x4;
	s20 =	smov.u32 s24  }
0x34: {  	s19 =	sshrl.u32 s22, $0x13;
	s22 =	sadd.s32 s25, s21  }
0x35: {  	s21 =	smul.u32 $0x9, s19;
	[tilespmem:s22+$0x1E0] =	vst v0  }
0x36: {  	_ = 	snop  }
0x37: {  	s19 =	smul.u32 $0x240, s19;
	s9 =	ssub.s32 s20, s21  }
0x38: {  	s9 =	sand.u32 $0xFFFF, s9  }
0x39: {  	s19 =	sshrl.u32 s19, $0x2;
	s9 =	sshll.u32 s9, $0x4  }
0x3a: {  	s9 =	sadd.s32 s9, s19  }
0x3b: {  	s19 =	rddreg [dreg:$0x6];
	[tilespmem:s9+$0x1E0] =	vst v0  }
0x3c: {  	[spmem:s19] =	stream.linear.scatter [tilespmem:s26], [sflag:$0x7], $0x2D00, $0x38;
	[tilespmem:$0x1D7E0] =	vst v63  }
0x3d: {  	_ =	swait.ge [sflag:s28], $0x2D00  }
0x3e: {  	[sflag:s28] =	ssyncset.done $0x0  }
0x3f: {  	s20 =	rddreg [dreg:$0x7];
	[sflag:s28] =	ssyncadd.s32 $0xFFFFD300  }
0x40: {  	[spmem:s20] =	stream.linear.scatter [tilespmem:s26], [sflag:$0x7], $0x2D00, $0x38;
	[tilespmem:$0x1D7E0] =	vst v63  }
0x41: {  	_ =	swait.ge [sflag:s28], $0x2D00  }
0x42: {  	[sflag:s28] =	ssyncset.done $0x0  }
0x43: {  	s21 =	rddreg [dreg:$0x8];
	[sflag:s28] =	ssyncadd.s32 $0xFFFFD300  }
0x44: {  	[spmem:s21] =	stream.linear.scatter [tilespmem:s26], [sflag:$0x7], $0x2D00, $0x38;
	[tilespmem:$0x1D7E0] =	vst v63  }
0x45: {  	_ =	swait.ge [sflag:s28], $0x2D00  }
0x46: {  	[sflag:s28] =	ssyncset.done $0x0  }
0x47: {  	s22 =	rddreg [dreg:$0x9];
	[sflag:s28] =	ssyncadd.s32 $0xFFFFD300  }
0x48: {  	[spmem:s22] =	stream.linear.scatter [tilespmem:s26], [sflag:$0x7], $0x2D00, $0x38;
	[tilespmem:$0x1D7E0] =	vst v63  }
0x49: {  	_ =	swait.ge [sflag:s28], $0x2D00  }
0x4a: {  	[sflag:s28] =	ssyncset.done $0x0  }
0x4b: {  	s24 =	rddreg [dreg:$0xa];
	[sflag:s28] =	ssyncadd.s32 $0xFFFFD300  }
0x4c: {  	[spmem:s24] =	stream.linear.scatter [tilespmem:s26], [sflag:$0x7], $0x2D00, $0x38;
	[tilespmem:$0x1D7E0] =	vst v63  }
0x4d: {  	_ =	swait.ge [sflag:s28], $0x2D00  }
0x4e: {  	[sflag:s28] =	ssyncset.done $0x0  }
0x4f: {  	s25 =	rddreg [dreg:$0xb];
	[sflag:s28] =	ssyncadd.s32 $0xFFFFD300  }
0x50: {  	[spmem:s25] =	stream.linear.scatter [tilespmem:s26], [sflag:$0x7], $0x2D00, $0x38;
	[tilespmem:$0x1D7E0] =	vst v63  }
0x51: {  	_ =	swait.ge [sflag:s28], $0x2D00  }
0x52: {  	[sflag:s28] =	ssyncset.done $0x0  }
0x53: {  	s19 =	rddreg [dreg:$0xc];
	[sflag:s28] =	ssyncadd.s32 $0xFFFFD300  }
0x54: {  	[spmem:s19] =	stream.linear.scatter [tilespmem:s26], [sflag:$0x7], $0x2D00, $0x38;
	[tilespmem:$0x1D7E0] =	vst v63  }
0x55: {  	_ =	swait.ge [sflag:s28], $0x2D00  }
0x56: {  	[sflag:s28] =	ssyncset.done $0x0  }
0x57: {  	s20 =	rddreg [dreg:$0xd];
	[sflag:s28] =	ssyncadd.s32 $0xFFFFD300  }
0x58: {  	[spmem:s20] =	stream.linear.scatter [tilespmem:s26], [sflag:$0x7], $0x2D00, $0x38;
	[tilespmem:$0x1D7E0] =	vst v63  }
0x59: {  	_ =	swait.ge [sflag:s28], $0x2D00  }
0x5a: {  	[sflag:s28] =	ssyncset.done $0x0  }
0x5b: {  	[sflag:s28] =	ssyncadd.s32 $0xFFFFD300  }
0x5c: {  	[bflag:$0x0] =	sbarrier.arrive $0xFFFF  }
0x5d: {  	s19 =	simm.s32 $0x0;
	s21 =	rddreg [dreg:$0xe]  }
0x5e: {  	[tilespmem:s19], [sflag:$0x3] =	stream.linear.gather [hbm4b:s21+s19], $0x50, $0x38;
	[tilespmem:$0x1D7E0] =	vst v63  }
0x5f: {  	s24 =	simm.s32 $0xA0;
	s22 =	rddreg [dreg:$0xf]  }
0x60: {  	[tilespmem:s24], [sflag:$0x3] =	stream.linear.gather [hbm4b:s22+s19], $0x50, $0x38;
	[tilespmem:$0x1D7E0] =	vst v63  }
0x61: {  	s25 =	rddreg [dreg:$0x10]  }
0x62: {  	[tilespmem:s30], [sflag:$0x4] =	stream.linear.gather [hbm4b:s25+s19], $0x50, $0x38;
	[tilespmem:$0x1D7E0] =	vst v63  }
0x63: {  	s21 =	rddreg [dreg:$0x11]  }
0x64: {  	[tilespmem:s31], [sflag:$0x4] =	stream.linear.gather [hbm4b:s21+s19], $0x50, $0x38;
	[tilespmem:$0x1D7E0] =	vst v63  }
0x65: {  	_ =	swait.ge [sflag:s0], $0x50  }
0x66: {  	[sflag:s0] =	ssyncset.done $0x0  }
0x67: {  	[sflag:s0] =	ssyncadd.s32 $0xFFFFFFB0  }
0x68: {  	_ =	swait.ge [sflag:s0], $0x50  }
0x69: {  	[sflag:s0] =	ssyncset.done $0x0  }
0x6a: {  	[sflag:s0] =	ssyncadd.s32 $0xFFFFFFB0  }
0x6b: {  	[tilespmem:s26], [sflag:$0x1] =	stream.indirect.gather [hbm4b:s7+s30], $0x90, s19, s30, $0xb8;
	[tilespmem:$0x1D7E0] =	vst v63  }
.Ltmp3:
0x6c: {  	_ = 	snop;
	(pc) =	sbr.rel .LBB2_4-.Ltmp3, $4  }
0x6d: {  	s22 =	simm.s32 $0x5BE0  }
0x6e: {  	[tilespmem:s22], [sflag:$0x1] =	stream.indirect.gather [hbm4b:s1+s30], $0x10, s24, s30, $0xb8;
	[tilespmem:$0x1D7E0] =	vst v63  }
0x6f: {  	s25 =	simm.s32 $0x65E0;
	s24 =	rddreg [dreg:$0x12]  }
0x70: {  	[tilespmem:s25], [sflag:$0x1] =	stream.linear.gather [hbm4b:s24+s19], $0x500, $0x38;
	[tilespmem:$0x1D7E0] =	vst v63  }
.LBB2_11:
0x71: {  	s19 =	sadd.s32 $0x1, s19  }
0x72: {  	p0 =	sne.s32 s19, $0x7D  }
.Ltmp4:
0x73: {  	_ = 	snop;
	(pc) =	sbr.rel @!p0 .LBB2_12-.Ltmp4, $1  }
0x74: {  	_ =	sdelay $0x3  }
.LBB2_4:
0x75: {  	s20 =	sand.u32 $0x1, s19  }
0x76: {  	p0 =	seq.s32 s20, $0x1  }
.Ltmp5:
0x77: {  	_ = 	snop;
	(pc) =	sbr.rel @p0 .LBB2_8-.Ltmp5, $1  }
0x78: {  	_ =	sdelay $0x3  }
0x79: {  	_ =	swait.ge [sflag:s13], $0x2D00  }
0x7a: {  	[sflag:s13] =	ssyncset.done $0x0  }
0x7b: {  	[sflag:s13] =	ssyncadd.s32 $0xFFFFD300  }
0x7c: {  	_ =	swait.ge [sflag:s13], $0x500  }
0x7d: {  	[sflag:s13] =	ssyncset.done $0x0  }
0x7e: {  	[sflag:s13] =	ssyncadd.s32 $0xFFFFFB00  }
0x7f: {  	_ =	swait.ge [sflag:s13], $0x500  }
0x80: {  	p0 =	seq.s32 s19, $0x0;
	[sflag:s13] =	ssyncset.done $0x0  }
0x81: {  	s9 =	simm.s32 @!p0 $0x6;
	[sflag:s13] =	ssyncadd.s32 $0xFFFFFB00  }
0x82: {  	_ =	swait.ge @!p0 [sflag:s9], $0x2D00  }
0x83: {  	p1 =	seq.s32 @!p0 s19, $0x7C;
	[sflag:s9] =	ssyncset.done @!p0 $0x0  }
0x84: {  	p1 =	por p0, !p1;
	[sflag:s9] =	ssyncadd.s32 @!p0 $0xFFFFD300  }
0x85: {  	_ =	swait.ge @p1 [sflag:s15], $0x50  }
0x86: {  	[sflag:s15] =	ssyncset.done @p1 $0x0  }
0x87: {  	s9 =	smul.u32 @p1 $0x50, s19;
	[sflag:s15] =	ssyncadd.s32 @p1 $0xFFFFFFB0  }
0x88: {  	_ =	swait.ge @p1 [sflag:s15], $0x50  }
0x89: {  	s9 =	sadd.s32 @p1 s9, s17;
	[sflag:s15] =	ssyncset.done @p1 $0x0  }
0x8a: {  	s9 =	sshll.u32 @p1 s9, $0x1;
	[sflag:s15] =	ssyncadd.s32 @p1 $0xFFFFFFB0  }
0x8b: {  	[tilespmem:s12], [sflag:$0x2] =	stream.indirect.gather @p1 [hbm4b:s7+s30], $0x90, s30, s30, $0xb8;
	[tilespmem:$0x1D7E0] =	vst v63  }
0x8c: {  	s9 =	sand.u32 @p1 $0x1FFFFFE0, s9  }
0x8d: {  	[tilespmem:s16], [sflag:$0x2] =	stream.indirect.gather @p1 [hbm4b:s1+s30], $0x10, s31, s30, $0xb8;
	[tilespmem:$0x1D7E0] =	vst v63  }
0x8e: {  	s9 =	sadd.s32 @p1 s8, s9  }
0x8f: {  	[tilespmem:s29], [sflag:$0x2] =	stream.linear.gather @p1 [hbm4b:s9+s6], $0x500, $0x38;
	[tilespmem:$0x1D7E0] =	vst v63  }
0x90: {  	v1 =	vld [tilespmem:$0xA0]  }
0x91: {  	v2 =	vld [tilespmem:$0xB0]  }
0x92: {  	v3 =	vld [tilespmem:$0xC0]  }
0x93: {  	v4 =	vld [tilespmem:$0xD0]  }
0x94: {  	p0 =	sgt.u32 s19, $0x7A;
	v5 =	vld [tilespmem:$0xE0]  }
0x95: {  	s9 =	smul.u32 @!p0 $0x50, s19;
	[tilespmem:$0x140] =	vst v1  }
0x96: {  	[tilespmem:$0x150] =	vst v2  }
0x97: {  	s9 =	sadd.s32 @!p0 s9, s23;
	[tilespmem:$0x160] =	vst v3  }
0x98: {  	s9 =	sshrl.u32 @!p0 s9, $0x3;
	[tilespmem:$0x170] =	vst v4  }
0x99: {  	s22 =	simm.s32 @!p0 $0x0;
	s21 =	sadd.s32 @!p0 s2, s9;
	[tilespmem:$0x180] =	vst v5  }
0x9a: {  	[tilespmem:s22], [sflag:$0x3] =	stream.linear.gather @!p0 [hbm4b:s21+s22], $0x50, $0x38;
	[tilespmem:$0x1D7E0] =	vst v63  }
0x9b: {  	s9 =	sadd.s32 @!p0 s4, s9;
	s21 =	simm.s32 @!p0 $0xA0  }
0x9c: {  	[tilespmem:s21], [sflag:$0x3] =	stream.linear.gather @!p0 [hbm4b:s9+s22], $0x50, $0x38;
	[tilespmem:$0x1D7E0] =	vst v63  }
0x9d: {  	s21 =	simm.s32 $0x270  }
0x9e: {  	s25 =	simm.s32 $0x5BF0;
	v1 =	vld [tilespmem:s21+$0xFFFFFFF0]  }
0x9f: {  	v2 =	vld [tilespmem:s25+$0xFFFFFFF0]  }
0xa0: {  	s22 =	simm.s32 $0x65F0  }
0xa1: {  	v3 =	vld [tilespmem:s22+$0xFFFFFFF0];
	_ =	sdelay $0x2  }
0xa2: {  	v1 =	vadd.f32 v2, v1;
	_ =	sdelay $0x1  }
0xa3: {  	v1 =	vadd.f32 v3, v1;
	_ =	sdelay $0x1  }
0xa4: {  	v2 =	vmul.f32 $9.999999770e-03, v1;
	_ =	sdelay $0x1  }
0xa5: {  	v1 =	vmax.f32 v1, v2  }
0xa6: {  	v1 =	vmul.f32 $1.442695020e+00, v1;
	_ =	sdelay $0x1  }
0xa7: {  	(erf) = vpow2.f32 v1;
	_ =	sdelay $0x6  }
0xa8: {  	v3 =	vld [tilespmem:s21+$0xFFFFFF70]  }
0xa9: {  	v4 =	vld [tilespmem:s21+$0xFFFFFF80]  }
0xaa: {  	v5 =	vld [tilespmem:s21+$0xFFFFFF90];
	v6 =	vpop (erf)  }
0xab: {  	v7 =	vld [tilespmem:s21+$0xFFFFFFE0];
	v8 =	vbroadcast v6, $0x0  }
0xac: {  	v9 =	vld [tilespmem:s21+$0xFFFFFFD0]  }
0xad: {  	v10 =	vld [tilespmem:s21+$0xFFFFFFC0];
	v11 =	vbroadcast v6, $0x1;
	v3 =	vmul.f32 v8, v3  }
0xae: {  	v12 =	vld [tilespmem:s21+$0xFFFFFFA0];
	[tilespmem:s21+$0xFFFFFFF0] =	vst v6;
	v13 =	vbroadcast v6, $0x3;
	v4 =	vmul.f32 v8, v4  }
0xaf: {  	v63 =	vld [tilespmem:s21+$0xFFFFFFB0];
	v5 =	vmul.f32 v11, v5;
	[tilespmem:s21+$0xFFFFFF70] =	vst v3  }
0xb0: {  	v3 =	vbroadcast v6, $0x2;
	v6 =	vmul.f32 v7, v13;
	[tilespmem:s21+$0xFFFFFF80] =	vst v4  }
0xb1: {  	v4 =	vmul.f32 v9, v13;
	[tilespmem:s21+$0xFFFFFF90] =	vst v5  }
0xb2: {  	v5 =	vmul.f32 v10, v3;
	[tilespmem:s21+$0xFFFFFFE0] =	vst v6  }
0xb3: {  	v6 =	vmul.f32 v12, v11;
	[tilespmem:s21+$0xFFFFFFD0] =	vst v4  }
0xb4: {  	v3 =	vmul.f32 v63, v3;
	[tilespmem:s21+$0xFFFFFFC0] =	vst v5  }
0xb5: {  	[tilespmem:s21+$0xFFFFFFA0] =	vst v6  }
0xb6: {  	[tilespmem:s21+$0xFFFFFFB0] =	vst v3;
	v3 =	vld [tilespmem:s21+$0x80]  }
0xb7: {  	v4 =	vld [tilespmem:s25+$0x0];
	_ =	sdelay $0x1  }
0xb8: {  	v5 =	vld [tilespmem:s22+$0x0];
	_ =	sdelay $0x2  }
0xb9: {  	v3 =	vadd.f32 v4, v3;
	_ =	sdelay $0x1  }
0xba: {  	v3 =	vadd.f32 v5, v3;
	_ =	sdelay $0x1  }
0xbb: {  	v4 =	vmul.f32 $9.999999770e-03, v3;
	_ =	sdelay $0x1  }
0xbc: {  	v3 =	vmax.f32 v3, v4  }
0xbd: {  	v4 =	vmul.f32 $1.442695020e+00, v3;
	_ =	sdelay $0x1  }
0xbe: {  	(erf) = vpow2.f32 v4;
	_ =	sdelay $0x2  }
0xbf: {  	v2 =	vld [tilespmem:s21+$0x10]  }
0xc0: {  	v1 =	vld [tilespmem:s21+$0x0]  }
0xc1: {  	v3 =	vld [tilespmem:s21+$0x70]  }
0xc2: {  	s24 =	simm.s32 $0x0;
	s9 =	simm.s32 $0x270;
	s25 =	simm.s32 $0x5C10;
	v4 =	vld [tilespmem:s21+$0x60]  }
.LBB2_6:
0xc3: {  	s24 =	sadd.s32 $0x2, s24;
	v5 =	vld [tilespmem:s21+$0x30];
	s22 =	sadd.s32 $0x20, s22;
	s9 =	sadd.s32 $0x120, s9  }
0xc4: {  	p0 =	slt.u32 s24, $0x4E;
	v6 =	vld [tilespmem:s21+$0x50]  }
0xc5: {  	v7 =	vld [tilespmem:s21+$0x20];
	v8 =	vpop (erf)  }
0xc6: {  	[tilespmem:s21+$0x80] =	vst v8;
	v9 =	vbroadcast v8, $0x0;
	v10 =	vbroadcast v8, $0x1;
	v11 =	vld [tilespmem:s21+$0x40]  }
0xc7: {  	v12 =	vbroadcast v8, $0x2;
	v8 =	vbroadcast v8, $0x3  }
0xc8: {  	v1 =	vmul.f32 v9, v1;
	v2 =	vmul.f32 v9, v2  }
0xc9: {  	v4 =	vmul.f32 v4, v8;
	v6 =	vmul.f32 v6, v12  }
0xca: {  	v3 =	vmul.f32 v3, v8;
	[tilespmem:s21+$0x0] =	vst v1;
	v7 =	vmul.f32 v10, v7  }
0xcb: {  	v5 =	vmul.f32 v5, v10;
	v1 =	vld [tilespmem:s9+$0x0];
	[tilespmem:s21+$0x10] =	vst v2;
	v8 =	vmul.f32 v11, v12  }
0xcc: {  	v2 =	vld [tilespmem:s9+$0x10];
	[tilespmem:s21+$0x60] =	vst v4  }
0xcd: {  	[tilespmem:s21+$0x70] =	vst v3  }
0xce: {  	[tilespmem:s21+$0x50] =	vst v6  }
0xcf: {  	[tilespmem:s21+$0x30] =	vst v5  }
0xd0: {  	[tilespmem:s21+$0x20] =	vst v7  }
0xd1: {  	v3 =	vld [tilespmem:s9+$0xFFFFFFF0];
	[tilespmem:s21+$0x40] =	vst v8;
	s21 =	smov.u32 s9  }
0xd2: {  	v4 =	vld [tilespmem:s25+$0xFFFFFFF0];
	_ =	sdelay $0x1  }
0xd3: {  	v5 =	vld [tilespmem:s22+$0xFFFFFFF0];
	_ =	sdelay $0x2  }
0xd4: {  	v3 =	vadd.f32 v4, v3;
	_ =	sdelay $0x1  }
0xd5: {  	v3 =	vadd.f32 v5, v3;
	_ =	sdelay $0x1  }
0xd6: {  	v4 =	vmul.f32 $9.999999770e-03, v3;
	_ =	sdelay $0x1  }
0xd7: {  	v3 =	vmax.f32 v3, v4  }
0xd8: {  	v3 =	vmul.f32 $1.442695020e+00, v3;
	_ =	sdelay $0x1  }
0xd9: {  	(erf) = vpow2.f32 v3;
	_ =	sdelay $0x2  }
0xda: {  	v3 =	vld [tilespmem:s9+$0xFFFFFFD0]  }
0xdb: {  	v4 =	vld [tilespmem:s9+$0xFFFFFFC0]  }
0xdc: {  	v5 =	vld [tilespmem:s9+$0xFFFFFFE0]  }
0xdd: {  	v6 =	vld [tilespmem:s9+$0xFFFFFF80]  }
0xde: {  	v7 =	vld [tilespmem:s9+$0xFFFFFF70]  }
0xdf: {  	v8 =	vld [tilespmem:s9+$0xFFFFFF90]  }
0xe0: {  	v9 =	vld [tilespmem:s9+$0xFFFFFFB0];
	v10 =	vpop (erf)  }
0xe1: {  	[tilespmem:s9+$0xFFFFFFF0] =	vst v10;
	v11 =	vbroadcast v10, $0x0;
	v12 =	vld [tilespmem:s9+$0xFFFFFFA0];
	v13 =	vbroadcast v10, $0x3  }
0xe2: {  	v14 =	vbroadcast v10, $0x1;
	v10 =	vbroadcast v10, $0x2  }
0xe3: {  	v7 =	vmul.f32 v11, v7;
	v6 =	vmul.f32 v11, v6  }
0xe4: {  	v5 =	vmul.f32 v5, v13;
	v8 =	vmul.f32 v14, v8  }
0xe5: {  	v4 =	vmul.f32 v4, v10;
	[tilespmem:s9+$0xFFFFFF70] =	vst v7;
	v7 =	vmul.f32 v9, v10  }
0xe6: {  	v3 =	vmul.f32 v3, v13;
	[tilespmem:s9+$0xFFFFFF80] =	vst v6;
	v6 =	vmul.f32 v12, v14  }
0xe7: {  	[tilespmem:s9+$0xFFFFFF90] =	vst v8  }
0xe8: {  	[tilespmem:s9+$0xFFFFFFE0] =	vst v5  }
0xe9: {  	[tilespmem:s9+$0xFFFFFFD0] =	vst v3  }
0xea: {  	[tilespmem:s9+$0xFFFFFFC0] =	vst v4  }
0xeb: {  	[tilespmem:s9+$0xFFFFFFA0] =	vst v6  }
0xec: {  	[tilespmem:s9+$0xFFFFFFB0] =	vst v7;
	v3 =	vld [tilespmem:s9+$0x80]  }
0xed: {  	v4 =	vld [tilespmem:s25+$0x0]  }
0xee: {  	v5 =	vld [tilespmem:s22+$0x0];
	_ =	sdelay $0x3  }
0xef: {  	v3 =	vadd.f32 v4, v3;
	_ =	sdelay $0x1  }
0xf0: {  	v3 =	vadd.f32 v5, v3;
	_ =	sdelay $0x1  }
0xf1: {  	v4 =	vmul.f32 $9.999999770e-03, v3;
	_ =	sdelay $0x1  }
0xf2: {  	v3 =	vmax.f32 v3, v4  }
0xf3: {  	v3 =	vmul.f32 $1.442695020e+00, v3;
	_ =	sdelay $0x1  }
0xf4: {  	(erf) = vpow2.f32 v3;
	_ =	sdelay $0x1  }
.Ltmp6:
0xf5: {  	(pc) =	sbr.rel @p0 .LBB2_6-.Ltmp6, $3  }
0xf6: {  	_ =	sdelay $0x1  }
0xf7: {  	v3 =	vld [tilespmem:s9+$0x70]  }
0xf8: {  	s25 =	sadd.s32 $0x20, s25;
	v4 =	vld [tilespmem:s9+$0x60]  }
0xf9: {  	_ =	sdelay $0x1  }
0xfa: {  	v5 =	vpop (erf)  }
0xfb: {  	v6 =	vbroadcast v5, $0x0  }
0xfc: {  	v7 =	vld [tilespmem:s21+$0x50]  }
0xfd: {  	v8 =	vld [tilespmem:s21+$0x30];
	v9 =	vbroadcast v5, $0x3;
	v1 =	vmul.f32 v6, v1  }
0xfe: {  	v10 =	vld [tilespmem:s21+$0x20];
	[tilespmem:s21+$0x80] =	vst v5;
	v2 =	vmul.f32 v6, v2  }
0xff: {  	v62 =	vld [tilespmem:s21+$0x40];
	v11 =	vbroadcast v5, $0x2;
	v4 =	vmul.f32 v4, v9;
	[tilespmem:s21+$0x0] =	vst v1  }
0x100: {  	v3 =	vmul.f32 v3, v9;
	v1 =	vbroadcast v5, $0x1;
	[tilespmem:s21+$0x10] =	vst v2  }
0x101: {  	v2 =	vmul.f32 v7, v11;
	[tilespmem:s21+$0x60] =	vst v4  }
0x102: {  	p0 =	seq.s32 s20, $0x0;
	[tilespmem:s21+$0x70] =	vst v3;
	v63 =	vmul.f32 v8, v1  }
.Ltmp7:
0x103: {  	v1 =	vmul.f32 v1, v10;
	[tilespmem:s21+$0x50] =	vst v2;
	(pc) =	sbr.rel @p0 .LBB2_11-.Ltmp7, $4  }
0x104: {  	v2 =	vmul.f32 v62, v11;
	[tilespmem:s21+$0x30] =	vst v63  }
0x105: {  	[tilespmem:s21+$0x20] =	vst v1  }
0x106: {  	[tilespmem:s21+$0x40] =	vst v2  }
0x107: {  	[spmem:s5] =	stream.indirect.scatter.add.f32 [tilespmem:s26], [sflag:$0x5], $0x90, s14, s30, $0xb8;
	[tilespmem:$0x1D7E0] =	vst v63  }
.LBB2_8:
0x108: {  	_ =	swait.ge [sflag:s3], $0x2D00  }
0x109: {  	[sflag:s3] =	ssyncset.done $0x0  }
0x10a: {  	[sflag:s3] =	ssyncadd.s32 $0xFFFFD300  }
0x10b: {  	_ =	swait.ge [sflag:s3], $0x500  }
0x10c: {  	[sflag:s3] =	ssyncset.done $0x0  }
0x10d: {  	[sflag:s3] =	ssyncadd.s32 $0xFFFFFB00  }
0x10e: {  	_ =	swait.ge [sflag:s3], $0x500  }
0x10f: {  	[sflag:s3] =	ssyncset.done $0x0  }
0x110: {  	[sflag:s3] =	ssyncadd.s32 $0xFFFFFB00  }
0x111: {  	_ =	swait.ge [sflag:s10], $0x2D00  }
0x112: {  	p0 =	seq.s32 s19, $0x7C;
	[sflag:s10] =	ssyncset.done $0x0  }
0x113: {  	s9 =	simm.s32 @!p0 $0x3;
	[sflag:s10] =	ssyncadd.s32 $0xFFFFD300  }
0x114: {  	_ =	swait.ge @!p0 [sflag:s9], $0x50  }
0x115: {  	[sflag:s9] =	ssyncset.done @!p0 $0x0  }
0x116: {  	[sflag:s9] =	ssyncadd.s32 @!p0 $0xFFFFFFB0  }
0x117: {  	_ =	swait.ge @!p0 [sflag:s9], $0x50  }
0x118: {  	s20 =	simm.s32 @!p0 $0x0;
	[sflag:s9] =	ssyncset.done @!p0 $0x0  }
0x119: {  	s21 =	simm.s32 @!p0 $0x1E0;
	[sflag:s9] =	ssyncadd.s32 @!p0 $0xFFFFFFB0;
	s9 =	simm.s32 @!p0 $0x50  }
0x11a: {  	[tilespmem:s21], [sflag:$0x1] =	stream.indirect.gather @!p0 [hbm4b:s7+s9], $0x90, s20, s9, $0xb8;
	[tilespmem:$0x1D7E0] =	vst v63  }
0x11b: {  	s22 =	simm.s32 @!p0 $0x5BE0;
	s24 =	smul.u32 @!p0 $0x50, s19;
	s21 =	simm.s32 @!p0 $0xA0  }
0x11c: {  	[tilespmem:s22], [sflag:$0x1] =	stream.indirect.gather @!p0 [hbm4b:s1+s9], $0x10, s21, s9, $0xb8;
	[tilespmem:$0x1D7E0] =	vst v63  }
0x11d: {  	s9 =	sadd.s32 @!p0 s24, s17  }
0x11e: {  	s9 =	sshll.u32 @!p0 s9, $0x1  }
0x11f: {  	s9 =	sand.u32 @!p0 $0x1FFFFFE0, s9  }
0x120: {  	s21 =	simm.s32 @!p0 $0x65E0;
	s9 =	sadd.s32 @!p0 s8, s9  }
0x121: {  	[tilespmem:s21], [sflag:$0x1] =	stream.linear.gather @!p0 [hbm4b:s9+s20], $0x500, $0x38;
	[tilespmem:$0x1D7E0] =	vst v63  }
0x122: {  	v1 =	vld [tilespmem:$0xF0]  }
0x123: {  	v2 =	vld [tilespmem:$0x100]  }
0x124: {  	v3 =	vld [tilespmem:$0x110]  }
0x125: {  	v4 =	vld [tilespmem:$0x120]  }
0x126: {  	p0 =	sgt.u32 s19, $0x7A;
	v5 =	vld [tilespmem:$0x130]  }
0x127: {  	s9 =	smul.u32 @!p0 $0x50, s19;
	[tilespmem:$0x190] =	vst v1  }
0x128: {  	[tilespmem:$0x1A0] =	vst v2  }
0x129: {  	s9 =	sadd.s32 @!p0 s9, s23;
	[tilespmem:$0x1B0] =	vst v3  }
0x12a: {  	s9 =	sshrl.u32 @!p0 s9, $0x3;
	[tilespmem:$0x1C0] =	vst v4  }
0x12b: {  	s21 =	simm.s32 @!p0 $0x0;
	s22 =	simm.s32 @!p0 $0x50;
	s20 =	sadd.s32 @!p0 s2, s9;
	[tilespmem:$0x1D0] =	vst v5  }
0x12c: {  	[tilespmem:s22], [sflag:$0x4] =	stream.linear.gather @!p0 [hbm4b:s20+s21], $0x50, $0x38;
	[tilespmem:$0x1D7E0] =	vst v63  }
0x12d: {  	s9 =	sadd.s32 @!p0 s4, s9;
	s20 =	simm.s32 @!p0 $0xF0  }
0x12e: {  	[tilespmem:s20], [sflag:$0x4] =	stream.linear.gather @!p0 [hbm4b:s9+s21], $0x50, $0x38;
	[tilespmem:$0x1D7E0] =	vst v63  }
0x12f: {  	s20 =	simm.s32 $0x2F70  }
0x130: {  	s25 =	simm.s32 $0x60F0;
	v1 =	vld [tilespmem:s20+$0xFFFFFFF0]  }
0x131: {  	v2 =	vld [tilespmem:s25+$0xFFFFFFF0]  }
0x132: {  	s21 =	simm.s32 $0x6AF0  }
0x133: {  	v3 =	vld [tilespmem:s21+$0xFFFFFFF0];
	_ =	sdelay $0x2  }
0x134: {  	v1 =	vadd.f32 v2, v1;
	_ =	sdelay $0x1  }
0x135: {  	v1 =	vadd.f32 v3, v1;
	_ =	sdelay $0x1  }
0x136: {  	v2 =	vmul.f32 $9.999999770e-03, v1;
	_ =	sdelay $0x1  }
0x137: {  	v1 =	vmax.f32 v1, v2  }
0x138: {  	v1 =	vmul.f32 $1.442695020e+00, v1;
	_ =	sdelay $0x1  }
0x139: {  	(erf) = vpow2.f32 v1;
	_ =	sdelay $0x6  }
0x13a: {  	v3 =	vld [tilespmem:s20+$0xFFFFFF70]  }
0x13b: {  	v4 =	vld [tilespmem:s20+$0xFFFFFF80]  }
0x13c: {  	v5 =	vld [tilespmem:s20+$0xFFFFFF90];
	v6 =	vpop (erf)  }
0x13d: {  	v7 =	vld [tilespmem:s20+$0xFFFFFFE0];
	v8 =	vbroadcast v6, $0x0  }
0x13e: {  	v9 =	vld [tilespmem:s20+$0xFFFFFFD0]  }
0x13f: {  	v10 =	vld [tilespmem:s20+$0xFFFFFFC0];
	v11 =	vbroadcast v6, $0x1;
	v3 =	vmul.f32 v8, v3  }
0x140: {  	v12 =	vld [tilespmem:s20+$0xFFFFFFA0];
	[tilespmem:s20+$0xFFFFFFF0] =	vst v6;
	v13 =	vbroadcast v6, $0x3;
	v4 =	vmul.f32 v8, v4  }
0x141: {  	v63 =	vld [tilespmem:s20+$0xFFFFFFB0];
	v5 =	vmul.f32 v11, v5;
	[tilespmem:s20+$0xFFFFFF70] =	vst v3  }
0x142: {  	v3 =	vbroadcast v6, $0x2;
	v6 =	vmul.f32 v7, v13;
	[tilespmem:s20+$0xFFFFFF80] =	vst v4  }
0x143: {  	v4 =	vmul.f32 v9, v13;
	[tilespmem:s20+$0xFFFFFF90] =	vst v5  }
0x144: {  	v5 =	vmul.f32 v10, v3;
	[tilespmem:s20+$0xFFFFFFE0] =	vst v6  }
0x145: {  	v6 =	vmul.f32 v12, v11;
	[tilespmem:s20+$0xFFFFFFD0] =	vst v4  }
0x146: {  	v3 =	vmul.f32 v63, v3;
	[tilespmem:s20+$0xFFFFFFC0] =	vst v5  }
0x147: {  	[tilespmem:s20+$0xFFFFFFA0] =	vst v6  }
0x148: {  	[tilespmem:s20+$0xFFFFFFB0] =	vst v3;
	v3 =	vld [tilespmem:s20+$0x80]  }
0x149: {  	v4 =	vld [tilespmem:s25+$0x0];
	_ =	sdelay $0x1  }
0x14a: {  	v5 =	vld [tilespmem:s21+$0x0];
	_ =	sdelay $0x2  }
0x14b: {  	v3 =	vadd.f32 v4, v3;
	_ =	sdelay $0x1  }
0x14c: {  	v3 =	vadd.f32 v5, v3;
	_ =	sdelay $0x1  }
0x14d: {  	v4 =	vmul.f32 $9.999999770e-03, v3;
	_ =	sdelay $0x1  }
0x14e: {  	v3 =	vmax.f32 v3, v4  }
0x14f: {  	v4 =	vmul.f32 $1.442695020e+00, v3;
	_ =	sdelay $0x1  }
0x150: {  	(erf) = vpow2.f32 v4;
	_ =	sdelay $0x2  }
0x151: {  	v2 =	vld [tilespmem:s20+$0x10]  }
0x152: {  	v1 =	vld [tilespmem:s20+$0x0]  }
0x153: {  	v3 =	vld [tilespmem:s20+$0x70]  }
0x154: {  	s24 =	simm.s32 $0x6110;
	s22 =	simm.s32 $0x0;
	s9 =	simm.s32 $0x2F70;
	v4 =	vld [tilespmem:s20+$0x60]  }
.LBB2_9:
0x155: {  	s22 =	sadd.s32 $0x2, s22;
	v5 =	vld [tilespmem:s20+$0x30];
	s21 =	sadd.s32 $0x20, s21;
	s9 =	sadd.s32 $0x120, s9  }
0x156: {  	p0 =	slt.u32 s22, $0x4E;
	v6 =	vld [tilespmem:s20+$0x50]  }
0x157: {  	v7 =	vld [tilespmem:s20+$0x20];
	v8 =	vpop (erf)  }
0x158: {  	[tilespmem:s20+$0x80] =	vst v8;
	v9 =	vbroadcast v8, $0x0;
	v10 =	vbroadcast v8, $0x1;
	v11 =	vld [tilespmem:s20+$0x40]  }
0x159: {  	v12 =	vbroadcast v8, $0x2;
	v8 =	vbroadcast v8, $0x3  }
0x15a: {  	v1 =	vmul.f32 v9, v1;
	v2 =	vmul.f32 v9, v2  }
0x15b: {  	v4 =	vmul.f32 v4, v8;
	v6 =	vmul.f32 v6, v12  }
0x15c: {  	v3 =	vmul.f32 v3, v8;
	[tilespmem:s20+$0x0] =	vst v1;
	v7 =	vmul.f32 v10, v7  }
0x15d: {  	v5 =	vmul.f32 v5, v10;
	v1 =	vld [tilespmem:s9+$0x0];
	[tilespmem:s20+$0x10] =	vst v2;
	v8 =	vmul.f32 v11, v12  }
0x15e: {  	v2 =	vld [tilespmem:s9+$0x10];
	[tilespmem:s20+$0x60] =	vst v4  }
0x15f: {  	[tilespmem:s20+$0x70] =	vst v3  }
0x160: {  	[tilespmem:s20+$0x50] =	vst v6  }
0x161: {  	[tilespmem:s20+$0x30] =	vst v5  }
0x162: {  	[tilespmem:s20+$0x20] =	vst v7  }
0x163: {  	v3 =	vld [tilespmem:s9+$0xFFFFFFF0];
	[tilespmem:s20+$0x40] =	vst v8;
	s20 =	smov.u32 s9  }
0x164: {  	v4 =	vld [tilespmem:s24+$0xFFFFFFF0];
	_ =	sdelay $0x1  }
0x165: {  	v5 =	vld [tilespmem:s21+$0xFFFFFFF0];
	_ =	sdelay $0x2  }
0x166: {  	v3 =	vadd.f32 v4, v3;
	_ =	sdelay $0x1  }
0x167: {  	v3 =	vadd.f32 v5, v3;
	_ =	sdelay $0x1  }
0x168: {  	v4 =	vmul.f32 $9.999999770e-03, v3;
	_ =	sdelay $0x1  }
0x169: {  	v3 =	vmax.f32 v3, v4  }
0x16a: {  	v3 =	vmul.f32 $1.442695020e+00, v3;
	_ =	sdelay $0x1  }
0x16b: {  	(erf) = vpow2.f32 v3;
	_ =	sdelay $0x2  }
0x16c: {  	v3 =	vld [tilespmem:s9+$0xFFFFFFD0]  }
0x16d: {  	v4 =	vld [tilespmem:s9+$0xFFFFFFC0]  }
0x16e: {  	v5 =	vld [tilespmem:s9+$0xFFFFFFE0]  }
0x16f: {  	v6 =	vld [tilespmem:s9+$0xFFFFFF80]  }
0x170: {  	v7 =	vld [tilespmem:s9+$0xFFFFFF70]  }
0x171: {  	v8 =	vld [tilespmem:s9+$0xFFFFFF90]  }
0x172: {  	v9 =	vld [tilespmem:s9+$0xFFFFFFB0];
	v10 =	vpop (erf)  }
0x173: {  	[tilespmem:s9+$0xFFFFFFF0] =	vst v10;
	v11 =	vbroadcast v10, $0x0;
	v12 =	vld [tilespmem:s9+$0xFFFFFFA0];
	v13 =	vbroadcast v10, $0x3  }
0x174: {  	v14 =	vbroadcast v10, $0x1;
	v10 =	vbroadcast v10, $0x2  }
0x175: {  	v7 =	vmul.f32 v11, v7;
	v6 =	vmul.f32 v11, v6  }
0x176: {  	v5 =	vmul.f32 v5, v13;
	v8 =	vmul.f32 v14, v8  }
0x177: {  	v4 =	vmul.f32 v4, v10;
	[tilespmem:s9+$0xFFFFFF70] =	vst v7;
	v7 =	vmul.f32 v9, v10  }
0x178: {  	v3 =	vmul.f32 v3, v13;
	[tilespmem:s9+$0xFFFFFF80] =	vst v6;
	v6 =	vmul.f32 v12, v14  }
0x179: {  	[tilespmem:s9+$0xFFFFFF90] =	vst v8  }
0x17a: {  	[tilespmem:s9+$0xFFFFFFE0] =	vst v5  }
0x17b: {  	[tilespmem:s9+$0xFFFFFFD0] =	vst v3  }
0x17c: {  	[tilespmem:s9+$0xFFFFFFC0] =	vst v4  }
0x17d: {  	[tilespmem:s9+$0xFFFFFFA0] =	vst v6  }
0x17e: {  	[tilespmem:s9+$0xFFFFFFB0] =	vst v7;
	v3 =	vld [tilespmem:s9+$0x80]  }
0x17f: {  	v4 =	vld [tilespmem:s24+$0x0]  }
0x180: {  	v5 =	vld [tilespmem:s21+$0x0];
	_ =	sdelay $0x3  }
0x181: {  	v3 =	vadd.f32 v4, v3;
	_ =	sdelay $0x1  }
0x182: {  	v3 =	vadd.f32 v5, v3;
	_ =	sdelay $0x1  }
0x183: {  	v4 =	vmul.f32 $9.999999770e-03, v3;
	_ =	sdelay $0x1  }
0x184: {  	v3 =	vmax.f32 v3, v4  }
0x185: {  	v3 =	vmul.f32 $1.442695020e+00, v3;
	_ =	sdelay $0x1  }
0x186: {  	(erf) = vpow2.f32 v3;
	_ =	sdelay $0x1  }
.Ltmp8:
0x187: {  	(pc) =	sbr.rel @p0 .LBB2_9-.Ltmp8, $3  }
0x188: {  	_ =	sdelay $0x1  }
0x189: {  	v3 =	vld [tilespmem:s9+$0x70]  }
0x18a: {  	s24 =	sadd.s32 $0x20, s24;
	v4 =	vld [tilespmem:s9+$0x60]  }
0x18b: {  	_ =	sdelay $0x1  }
0x18c: {  	v5 =	vpop (erf)  }
0x18d: {  	v6 =	vbroadcast v5, $0x0  }
0x18e: {  	v7 =	vld [tilespmem:s20+$0x50]  }
0x18f: {  	v8 =	vld [tilespmem:s20+$0x30];
	v9 =	vbroadcast v5, $0x3;
	v1 =	vmul.f32 v6, v1  }
0x190: {  	v10 =	vld [tilespmem:s20+$0x20];
	[tilespmem:s20+$0x80] =	vst v5;
	v2 =	vmul.f32 v6, v2  }
0x191: {  	v62 =	vld [tilespmem:s20+$0x40];
	v11 =	vbroadcast v5, $0x2;
	v4 =	vmul.f32 v4, v9;
	[tilespmem:s20+$0x0] =	vst v1  }
0x192: {  	v3 =	vmul.f32 v3, v9;
	v1 =	vbroadcast v5, $0x1;
	[tilespmem:s20+$0x10] =	vst v2  }
0x193: {  	v2 =	vmul.f32 v7, v11;
	[tilespmem:s20+$0x60] =	vst v4  }
0x194: {  	[tilespmem:s20+$0x70] =	vst v3;
	v63 =	vmul.f32 v8, v1  }
.Ltmp9:
0x195: {  	v1 =	vmul.f32 v1, v10;
	[tilespmem:s20+$0x50] =	vst v2;
	(pc) =	sbr.rel .LBB2_11-.Ltmp9, $4  }
0x196: {  	v2 =	vmul.f32 v62, v11;
	[tilespmem:s20+$0x30] =	vst v63  }
0x197: {  	[tilespmem:s20+$0x20] =	vst v1  }
0x198: {  	[tilespmem:s20+$0x40] =	vst v2  }
0x199: {  	[spmem:s5] =	stream.indirect.scatter.add.f32 [tilespmem:s12], [sflag:$0x6], $0x90, s11, s30, $0xb8;
	[tilespmem:$0x1D7E0] =	vst v63  }
.LBB2_13:
0x19a: {  	_ =	sfence.sel $0x180000  }
0x19b: {  	[bflag:$0x0] =	sbarrier.arrive $0xFFFF  }
0x19c: {  	_ =	strace $0x90000047  }
0x19d: {  	s0 =	stileid.u32;
	[bflag:$0x2] =	sbarrier.arrive $0xFFFF  }
0x19e: {  	p0 =	sne.s32 s0, $0x0;
	s0 =	rddreg [dreg:$0x5]  }
0x19f: {  	s0 =	sadd.s32 @!p0 $0x100000, s0  }
0x1a0: {  	[sflag:s0] =	ssyncadd.tile.s32 @!p0 $0x1;
	_ =	shalt  }
.Lfunc_end2:
_tile_overlayer_lowered:
.L_overlay_start_2:
0x1a1: {  	(tag) =	ssettag $0x2  }
0x1a2: {  	s0 =	rddreg [dreg:$0x0];
	s2 =	stileid.u32  }
0x1a3: {  	s1 =	rddreg [dreg:$0x1];
	p0 =	sne.s32 s2, $0x0  }
0x1a4: {  	s3 =	rddreg [dreg:$0x2];
	[bflag:$0x3] =	sbarrier.arrive $0xFFFF;
	s2 =	simm.s32 @!p0 $0x1C07  }
0x1a5: {  	[timem:s3], [sflag:s2] =	dma.local @!p0 [hbm:s0], s1  }
0x1a6: {  	s0 =	simm.s32 @!p0 $0x7  }
0x1a7: {  	_ =	swait.ge @!p0 [sflag:s0], s1  }
0x1a8: {  	s1 =	ssub.s32 @!p0 $0x0, s1;
	[sflag:s0] =	ssyncset.done @!p0 $0x0  }
0x1a9: {  	[sflag:s0] =	ssyncadd.s32 @!p0 s1  }
0x1aa: {  	[bflag:$0x3] =	sbarrier.arrive $0xFFFF  }
0x1ab: {  	_ =	shalt  }

</sc_bundles>
